<compile_context>
chip_gen: v7x
topology: tpu7x:2x2x1
jax: 0.10.2.dev20260603
libtpu: 0.0.44.dev20260713+nightly
codegen_flags: <defaults>
</compile_context>

<pallas_src>
import functools

import jax
import jax.numpy as jnp
from jax import lax
from jax.experimental import pallas as pl
from jax.experimental.pallas import tpu as pltpu
from jax.experimental.pallas import tpu_sc as plsc

NC = 2
NS = 16
NW = NC * NS
CH = 128


def _sc_mesh():
    return plsc.VectorSubcoreMesh(
        core_axis_name="c", subcore_axis_name="s", num_cores=NC, num_subcores=NS
    )


def _deg_call(dst2d, NPAD):
    nrows, ch = dst2d.shape
    nch = nrows // NW
    rpt = NPAD // NS

    @functools.partial(
        pl.kernel,
        out_type=jax.ShapeDtypeStruct((NC, NPAD), jnp.float32),
        mesh=_sc_mesh(),
        scratch_types=[
            pltpu.VMEM((nch, ch), jnp.int32),
            pltpu.VMEM((ch,), jnp.float32),
            pltpu.VMEM((rpt,), jnp.float32),
            pltpu.VMEM_SHARED((NPAD,), jnp.float32),
            pltpu.SemaphoreType.DMA,
        ],
    )
    def k(dst_hbm, out_hbm, dstv, onesv, zbuf, deg_sh, dsem):
        c = lax.axis_index("c")
        s = lax.axis_index("s")

        def zfill(i, _):
            zbuf[pl.ds(i * 16, 16)] = jnp.zeros((16,), jnp.float32)
            return 0

        lax.fori_loop(0, rpt // 16, zfill, 0)

        def ofill(i, _):
            onesv[pl.ds(i * 16, 16)] = jnp.ones((16,), jnp.float32)
            return 0

        lax.fori_loop(0, ch // 16, ofill, 0)

        pltpu.sync_copy(zbuf, deg_sh.at[pl.ds(s * rpt, rpt)])
        plsc.subcore_barrier()

        base = (c * NS + s) * nch
        pltpu.sync_copy(dst_hbm.at[pl.ds(base, nch)], dstv)

        def fire(j, _):
            pltpu.async_copy(onesv, deg_sh.at[dstv.at[j]], dsem, add=True)
            return 0

        lax.fori_loop(0, nch, fire, 0)

        def drain(j, _):
            pltpu.make_async_copy(onesv, deg_sh.at[dstv.at[j]], dsem).wait()
            return 0

        lax.fori_loop(0, nch, drain, 0)
        plsc.subcore_barrier()
        pltpu.sync_copy(deg_sh.at[pl.ds(s * rpt, rpt)], out_hbm.at[c, pl.ds(s * rpt, rpt)])

    return k(dst2d)


def _agg_call(src2d, dst2d, h2, NTAB):
    nrows, ch = src2d.shape
    N, D = h2.shape
    nch = nrows // NW
    rpt = NTAB // NS
    zr = 32

    NB = 16

    @functools.partial(
        pl.kernel,
        out_type=jax.ShapeDtypeStruct((NC, NTAB, D), jnp.float32),
        mesh=_sc_mesh(),
        scratch_types=[
            pltpu.VMEM((NB, ch), jnp.int32),
            pltpu.VMEM((NB, ch), jnp.int32),
            pltpu.VMEM((ch, D), jnp.float32),
            pltpu.VMEM((ch, D), jnp.float32),
            pltpu.VMEM((zr, D), jnp.float32),
            pltpu.VMEM_SHARED((NTAB, D), jnp.float32),
            pltpu.SemaphoreType.DMA,
            pltpu.SemaphoreType.DMA,
            pltpu.SemaphoreType.DMA,
            pltpu.SemaphoreType.DMA,
            pltpu.SemaphoreType.DMA,
        ],
    )
    def k(src_hbm, dst_hbm, h2_hbm, out_hbm, srcv, dstv, rows0, rows1, zbuf, agg_sh,
          gsem0, gsem1, ssem0, ssem1, zsem):
        c = lax.axis_index("c")
        s = lax.axis_index("s")

        def zfill(i, _):
            for q in range(D // 16):
                zbuf[i, pl.ds(q * 16, 16)] = jnp.zeros((16,), jnp.float32)
            return 0

        lax.fori_loop(0, zr, zfill, 0)
        base = (c * NS + s) * nch
        for r in range(rpt // zr):
            pltpu.async_copy(zbuf, agg_sh.at[pl.ds(s * rpt + r * zr, zr)], zsem)
        pltpu.sync_copy(src_hbm.at[pl.ds(base, NB)], srcv)
        pltpu.sync_copy(dst_hbm.at[pl.ds(base, NB)], dstv)
        pltpu.async_copy(h2_hbm.at[srcv.at[0]], rows0, gsem0)
        for r in range(rpt // zr):
            pltpu.make_async_copy(zbuf, agg_sh.at[pl.ds(s * rpt + r * zr, zr)], zsem).wait()
        plsc.subcore_barrier()

        def block(g, _):
            bb = base + g * NB

            @pl.when(g > 0)
            def _():
                pltpu.sync_copy(src_hbm.at[pl.ds(bb, NB)], srcv)
                pltpu.sync_copy(dst_hbm.at[pl.ds(bb, NB)], dstv)
                pltpu.async_copy(h2_hbm.at[srcv.at[0]], rows0, gsem0)

            def pair(p, _):
                j = 2 * p

                @pl.when(p > 0)
                def _():
                    pltpu.make_async_copy(rows1, agg_sh.at[dstv.at[j - 1]], ssem1).wait()

                pltpu.async_copy(h2_hbm.at[srcv.at[j + 1]], rows1, gsem1)
                pltpu.make_async_copy(h2_hbm.at[srcv.at[j]], rows0, gsem0).wait()
                pltpu.async_copy(rows0, agg_sh.at[dstv.at[j]], ssem0, add=True)

                pltpu.make_async_copy(rows0, agg_sh.at[dstv.at[j]], ssem0).wait()

                @pl.when(j + 2 < NB)
                def _():
                    pltpu.async_copy(h2_hbm.at[srcv.at[j + 2]], rows0, gsem0)

                pltpu.make_async_copy(h2_hbm.at[srcv.at[j + 1]], rows1, gsem1).wait()
                pltpu.async_copy(rows1, agg_sh.at[dstv.at[j + 1]], ssem1, add=True)
                return 0

            lax.fori_loop(0, NB // 2, pair, 0)
            pltpu.make_async_copy(rows1, agg_sh.at[dstv.at[NB - 1]], ssem1).wait()
            return 0

        lax.fori_loop(0, nch // NB, block, 0)
        plsc.subcore_barrier()
        pltpu.sync_copy(agg_sh.at[pl.ds(s * rpt, rpt)], out_hbm.at[c, pl.ds(s * rpt, rpt)])

    return k(src2d, dst2d, h2)


def _edges_call(edge_index, NROWS, N, NTAB):
    _, E = edge_index.shape
    n0 = E // CH
    npr = NROWS - n0

    def body(e_ref, src_ref, dst_ref):
        src_ref[0:n0, :] = jnp.reshape(e_ref[0:1, :], (n0, CH))
        dst_ref[0:n0, :] = jnp.reshape(e_ref[1:2, :], (n0, CH))
        k = (lax.broadcasted_iota(jnp.int32, (npr, CH), 0) * CH
             + lax.broadcasted_iota(jnp.int32, (npr, CH), 1))
        src_ref[n0:NROWS, :] = k % N
        dst_ref[n0:NROWS, :] = N + k % (NTAB - N)

    return pl.pallas_call(
        body,
        out_shape=(
            jax.ShapeDtypeStruct((NROWS, CH), jnp.int32),
            jax.ShapeDtypeStruct((NROWS, CH), jnp.int32),
        ),
    )(edge_index)


def _h2_call(x, W, degp):
    N, DI = x.shape
    DO = W.shape[1]

    def body(x_ref, w_ref, degp_ref, h2_ref, dis_ref):
        h = jnp.dot(x_ref[...], w_ref[...], preferred_element_type=jnp.float32)
        deg_row = degp_ref[0:1, :] + degp_ref[1:2, :] + 1.0
        dis_col = jnp.transpose(lax.rsqrt(deg_row))[0:N, :]
        h2_ref[...] = h * dis_col
        dis_ref[...] = dis_col

    return pl.pallas_call(
        body,
        out_shape=(
            jax.ShapeDtypeStruct((N, DO), jnp.float32),
            jax.ShapeDtypeStruct((N, 1), jnp.float32),
        ),
    )(x, W, degp)


def _final_call(aggp, h2, dis, b2, g2, be2):
    N, D = h2.shape

    def body(aggp_ref, h2_ref, dis_ref, b_ref, g_ref, be_ref, out_ref):
        a0 = aggp_ref[0, 0:N, :]
        a1 = aggp_ref[1, 0:N, :]
        y = (a0 + a1 + h2_ref[...]) * dis_ref[...] + b_ref[...]
        n = jnp.float32(N)
        mean = jnp.sum(y, axis=0, keepdims=True) / n
        var = jnp.sum(y * y, axis=0, keepdims=True) / n - mean * mean
        inv = lax.rsqrt(var + 1e-5)
        out_ref[...] = jnp.maximum((y - mean) * inv * g_ref[...] + be_ref[...], 0.0)

    return pl.pallas_call(
        body,
        out_shape=jax.ShapeDtypeStruct((N, D), jnp.float32),
    )(aggp, h2, dis, b2, g2, be2)


def kernel(x, edge_index, W, b, gamma, beta):
    N, DI = x.shape
    DO = W.shape[1]
    E = edge_index.shape[1]
    NPAD = ((N + NS * 16 - 1) // (NS * 16)) * NS * 16
    NTAB = NPAD

    nch = -(-E // (NW * CH))
    nch = ((nch + 7) // 8) * 8
    src2d, dst2d = _edges_call(edge_index, NW * nch, N, NTAB)

    degp = _deg_call(dst2d, NPAD)
    h2, dis = _h2_call(x, W, degp)
    aggp = _agg_call(src2d, dst2d, h2, NTAB)
    return _final_call(
        aggp, h2, dis,
        b.reshape(1, DO), gamma.reshape(1, DO), beta.reshape(1, DO),
    )

# --- scband reference (transcript-rebuilt; emitter-appended) ---
"""Pipeline reference for scband-gcnblock-1589137900159 (READ-ONLY COPY).

The authoritative reference and input builder live on the scoring server;
editing this copy changes nothing except your own understanding.
"""

import jax, jax.numpy as jnp
import numpy as np

N = 10000
E = 320000
D_IN = 128
D_OUT = 128

def setup_inputs(seed: int = 0) -> dict:
    key = jax.random.key(seed)
    k1, k2, k3 = jax.random.split(key, 3)
    x = jax.random.normal(k1, (N, D_IN), dtype=jnp.float32)
    edge_index = jax.random.randint(k2, (2, E), 0, N, dtype=jnp.int32)
    W = jax.random.normal(k3, (D_IN, D_OUT), dtype=jnp.float32) / np.sqrt(D_IN)
    b = jnp.zeros((D_OUT,), dtype=jnp.float32)
    gamma = jnp.ones((D_OUT,), dtype=jnp.float32)
    beta = jnp.zeros((D_OUT,), dtype=jnp.float32)
    return {"x": x, "edge_index": edge_index, "W": W, "b": b, "gamma": gamma, "beta": beta}

def reference(x, edge_index, W, b, gamma, beta):
    # GCNConv (PyG default): add self-loops, symmetric normalization D^-1/2 (A+I) D^-1/2
    src = edge_index[0]
    dst = edge_index[1]
    loop = jnp.arange(N, dtype=src.dtype)
    src = jnp.concatenate([src, loop])
    dst = jnp.concatenate([dst, loop])
    deg = jnp.zeros((N,), dtype=jnp.float32).at[dst].add(1.0)
    deg_inv_sqrt = jnp.where(deg > 0, 1.0 / jnp.sqrt(deg), 0.0)
    norm = deg_inv_sqrt[src] * deg_inv_sqrt[dst]
    h = x @ W
    msg = norm[:, None] * jnp.take(h, src, axis=0)
    out = jax.ops.segment_sum(msg, dst, num_segments=N) + b
    # BatchNorm1d (training-mode batch statistics over nodes)
    mean = jnp.mean(out, axis=0)
    var = jnp.var(out, axis=0)
    out = (out - mean) / jnp.sqrt(var + 1e-5) * gamma + beta
    # ReLU
    out = jnp.maximum(out, 0.0)
    # Dropout: identity (eval mode / deterministic reference)
    return out

if __name__ == "__main__":
    import jax
    _d = setup_inputs()
    print(jax.jit(kernel)(*tuple(_d.values())))

</pallas_src>

<mosaic_0001>
#map = affine_map<(d0, d1) -> (0, 0)>
#map1 = affine_map<(d0, d1) -> (0, 0, 0)>
module attributes {stable_mosaic.version = 14 : i64} {
  func.func @k(%arg0: i32, %arg1: i32, %arg2: memref<2560x128xi32, #tpu.memory_space<hbm>>, %arg3: memref<2560x128xi32, #tpu.memory_space<hbm>>, %arg4: memref<10000x128xf32, #tpu.memory_space<hbm>>, %arg5: memref<2x10240x128xf32, #tpu.memory_space<hbm>>, %arg6: memref<16x128xi32, #tpu.memory_space<vmem>>, %arg7: memref<16x128xi32, #tpu.memory_space<vmem>>, %arg8: memref<128x128xf32, #tpu.memory_space<vmem>>, %arg9: memref<128x128xf32, #tpu.memory_space<vmem>>, %arg10: memref<32x128xf32, #tpu.memory_space<vmem>>, %arg11: memref<10240x128xf32, #tpu.memory_space<vmem_shared>>, %arg12: memref<!tpu.dma_semaphore, #tpu.memory_space<semaphore_mem>>, %arg13: memref<!tpu.dma_semaphore, #tpu.memory_space<semaphore_mem>>, %arg14: memref<!tpu.dma_semaphore, #tpu.memory_space<semaphore_mem>>, %arg15: memref<!tpu.dma_semaphore, #tpu.memory_space<semaphore_mem>>, %arg16: memref<!tpu.dma_semaphore, #tpu.memory_space<semaphore_mem>>) attributes {dimension_semantics = [#tpu.dimension_semantics<core_parallel>, #tpu.dimension_semantics<subcore_parallel>], iteration_bounds = array<i64: 2, 16>, scalar_prefetch = 0 : i64, scratch_operands = 11 : i64, tpu.core_type = #tpu.core_type<sc_vector_subcore>, window_params = [{transform_indices = #map}, {transform_indices = #map}, {transform_indices = #map}, {transform_indices = #map1}]} {
    %scan3A = arith.constant 0 : i32
    %scan3A_0 = arith.constant 0 : i32
    %scan3A_1 = arith.constant 32 : i32
    %scan3A_2 = arith.addi %scan3A_0, %scan3A_1 : i32
    %scan3A_3 = arith.constant 1 : i32
    %scan3A_4 = scf.for %scan3A_346 = %scan3A_0 to %scan3A_2 step %scan3A_3 iter_args(%scan3A_347 = %scan3A) -> (i32)  : i32 {
      %broadcast_in_dim3A = arith.constant 0.000000e+00 : f32
      %broadcast_in_dim3A_348 = vector.broadcast %broadcast_in_dim3A : f32 to vector<16xf32>
      %swap3A = arith.index_cast %scan3A_346 : i32 to index
      %swap3A_349 = arith.constant 0 : index
      %swap3A_350 = tpu.vector_load %arg10[%swap3A, %swap3A_349] {strides = array<i32>} : memref<32x128xf32, #tpu.memory_space<vmem>>, vector<1x16xf32>,
      %swap3A_351 = vector.shape_cast %swap3A_350 : vector<1x16xf32> to vector<16xf32>
      %swap3A_352 = vector.shape_cast %broadcast_in_dim3A_348 : vector<16xf32> to vector<1x16xf32>
      tpu.vector_store %arg10[%swap3A, %swap3A_349], %swap3A_352 {strides = array<i32>} : memref<32x128xf32, #tpu.memory_space<vmem>>, vector<1x16xf32>,
      %broadcast_in_dim3A_353 = arith.constant 0.000000e+00 : f32
      %broadcast_in_dim3A_354 = vector.broadcast %broadcast_in_dim3A_353 : f32 to vector<16xf32>
      %swap3A_355 = arith.index_cast %scan3A_346 : i32 to index
      %swap3A_356 = arith.constant 16 : index
      %swap3A_357 = tpu.vector_load %arg10[%swap3A_355, %swap3A_356] {strides = array<i32>} : memref<32x128xf32, #tpu.memory_space<vmem>>, vector<1x16xf32>,
      %swap3A_358 = vector.shape_cast %swap3A_357 : vector<1x16xf32> to vector<16xf32>
      %swap3A_359 = vector.shape_cast %broadcast_in_dim3A_354 : vector<16xf32> to vector<1x16xf32>
      tpu.vector_store %arg10[%swap3A_355, %swap3A_356], %swap3A_359 {strides = array<i32>} : memref<32x128xf32, #tpu.memory_space<vmem>>, vector<1x16xf32>,
      %broadcast_in_dim3A_360 = arith.constant 0.000000e+00 : f32
      %broadcast_in_dim3A_361 = vector.broadcast %broadcast_in_dim3A_360 : f32 to vector<16xf32>
      %swap3A_362 = arith.index_cast %scan3A_346 : i32 to index
      %swap3A_363 = arith.constant 32 : index
      %swap3A_364 = tpu.vector_load %arg10[%swap3A_362, %swap3A_363] {strides = array<i32>} : memref<32x128xf32, #tpu.memory_space<vmem>>, vector<1x16xf32>,
      %swap3A_365 = vector.shape_cast %swap3A_364 : vector<1x16xf32> to vector<16xf32>
      %swap3A_366 = vector.shape_cast %broadcast_in_dim3A_361 : vector<16xf32> to vector<1x16xf32>
      tpu.vector_store %arg10[%swap3A_362, %swap3A_363], %swap3A_366 {strides = array<i32>} : memref<32x128xf32, #tpu.memory_space<vmem>>, vector<1x16xf32>,
      %broadcast_in_dim3A_367 = arith.constant 0.000000e+00 : f32
      %broadcast_in_dim3A_368 = vector.broadcast %broadcast_in_dim3A_367 : f32 to vector<16xf32>
      %swap3A_369 = arith.index_cast %scan3A_346 : i32 to index
      %swap3A_370 = arith.constant 48 : index
      %swap3A_371 = tpu.vector_load %arg10[%swap3A_369, %swap3A_370] {strides = array<i32>} : memref<32x128xf32, #tpu.memory_space<vmem>>, vector<1x16xf32>,
      %swap3A_372 = vector.shape_cast %swap3A_371 : vector<1x16xf32> to vector<16xf32>
      %swap3A_373 = vector.shape_cast %broadcast_in_dim3A_368 : vector<16xf32> to vector<1x16xf32>
      tpu.vector_store %arg10[%swap3A_369, %swap3A_370], %swap3A_373 {strides = array<i32>} : memref<32x128xf32, #tpu.memory_space<vmem>>, vector<1x16xf32>,
      %broadcast_in_dim3A_374 = arith.constant 0.000000e+00 : f32
      %broadcast_in_dim3A_375 = vector.broadcast %broadcast_in_dim3A_374 : f32 to vector<16xf32>
      %swap3A_376 = arith.index_cast %scan3A_346 : i32 to index
      %swap3A_377 = arith.constant 64 : index
      %swap3A_378 = tpu.vector_load %arg10[%swap3A_376, %swap3A_377] {strides = array<i32>} : memref<32x128xf32, #tpu.memory_space<vmem>>, vector<1x16xf32>,
      %swap3A_379 = vector.shape_cast %swap3A_378 : vector<1x16xf32> to vector<16xf32>
      %swap3A_380 = vector.shape_cast %broadcast_in_dim3A_375 : vector<16xf32> to vector<1x16xf32>
      tpu.vector_store %arg10[%swap3A_376, %swap3A_377], %swap3A_380 {strides = array<i32>} : memref<32x128xf32, #tpu.memory_space<vmem>>, vector<1x16xf32>,
      %broadcast_in_dim3A_381 = arith.constant 0.000000e+00 : f32
      %broadcast_in_dim3A_382 = vector.broadcast %broadcast_in_dim3A_381 : f32 to vector<16xf32>
      %swap3A_383 = arith.index_cast %scan3A_346 : i32 to index
      %swap3A_384 = arith.constant 80 : index
      %swap3A_385 = tpu.vector_load %arg10[%swap3A_383, %swap3A_384] {strides = array<i32>} : memref<32x128xf32, #tpu.memory_space<vmem>>, vector<1x16xf32>,
      %swap3A_386 = vector.shape_cast %swap3A_385 : vector<1x16xf32> to vector<16xf32>
      %swap3A_387 = vector.shape_cast %broadcast_in_dim3A_382 : vector<16xf32> to vector<1x16xf32>
      tpu.vector_store %arg10[%swap3A_383, %swap3A_384], %swap3A_387 {strides = array<i32>} : memref<32x128xf32, #tpu.memory_space<vmem>>, vector<1x16xf32>,
      %broadcast_in_dim3A_388 = arith.constant 0.000000e+00 : f32
      %broadcast_in_dim3A_389 = vector.broadcast %broadcast_in_dim3A_388 : f32 to vector<16xf32>
      %swap3A_390 = arith.index_cast %scan3A_346 : i32 to index
      %swap3A_391 = arith.constant 96 : index
      %swap3A_392 = tpu.vector_load %arg10[%swap3A_390, %swap3A_391] {strides = array<i32>} : memref<32x128xf32, #tpu.memory_space<vmem>>, vector<1x16xf32>,
      %swap3A_393 = vector.shape_cast %swap3A_392 : vector<1x16xf32> to vector<16xf32>
      %swap3A_394 = vector.shape_cast %broadcast_in_dim3A_389 : vector<16xf32> to vector<1x16xf32>
      tpu.vector_store %arg10[%swap3A_390, %swap3A_391], %swap3A_394 {strides = array<i32>} : memref<32x128xf32, #tpu.memory_space<vmem>>, vector<1x16xf32>,
      %broadcast_in_dim3A_395 = arith.constant 0.000000e+00 : f32
      %broadcast_in_dim3A_396 = vector.broadcast %broadcast_in_dim3A_395 : f32 to vector<16xf32>
      %swap3A_397 = arith.index_cast %scan3A_346 : i32 to index
      %swap3A_398 = arith.constant 112 : index
      %swap3A_399 = tpu.vector_load %arg10[%swap3A_397, %swap3A_398] {strides = array<i32>} : memref<32x128xf32, #tpu.memory_space<vmem>>, vector<1x16xf32>,
      %swap3A_400 = vector.shape_cast %swap3A_399 : vector<1x16xf32> to vector<16xf32>
      %swap3A_401 = vector.shape_cast %broadcast_in_dim3A_396 : vector<16xf32> to vector<1x16xf32>
      tpu.vector_store %arg10[%swap3A_397, %swap3A_398], %swap3A_401 {strides = array<i32>} : memref<32x128xf32, #tpu.memory_space<vmem>>, vector<1x16xf32>,
      %scan3A_402 = arith.constant 0 : i32
      scf.yield %scan3A_402 : i32
    }
    %scan3A_5 = arith.constant 32 : i32
    %mul3A = arith.constant 16 : i32
    %mul3A_6 = arith.muli %arg0, %mul3A : i32
    %add3A = arith.addi %mul3A_6, %arg1 : i32
    %mul3A_7 = arith.constant 80 : i32
    %mul3A_8 = arith.muli %add3A, %mul3A_7 : i32
    %mul3A_9 = arith.constant 640 : i32
    %mul3A_10 = arith.muli %arg1, %mul3A_9 : i32
    %add3A_11 = arith.constant 0 : i32
    %add3A_12 = arith.addi %mul3A_10, %add3A_11 : i32
    %dma_start3A = arith.constant 0 : i32
    %dma_start3A_13 = tpu.memref_slice %arg11[%add3A_12, %dma_start3A] : memref<10240x128xf32, #tpu.memory_space<vmem_shared>> -> memref<32x128xf32, #tpu.memory_space<vmem_shared>>
    %dma_start3A_14 = arith.constant 0 : i32
    %dma_start3A_15 = tpu.memref_slice %arg11[%add3A_12, %dma_start3A_14] : memref<10240x128xf32, #tpu.memory_space<vmem_shared>> -> memref<32x128xf32, #tpu.memory_space<vmem_shared>>
    tpu.enqueue_dma source(%arg10 : memref<32x128xf32, #tpu.memory_space<vmem>>) target(%dma_start3A_15 : memref<32x128xf32, #tpu.memory_space<vmem_shared>>) target_semaphore(%arg16 : memref<!tpu.dma_semaphore, #tpu.memory_space<semaphore_mem>>)
    %mul3A_16 = arith.constant 640 : i32
    %mul3A_17 = arith.muli %arg1, %mul3A_16 : i32
    %add3A_18 = arith.constant 32 : i32
    %add3A_19 = arith.addi %mul3A_17, %add3A_18 : i32
    %dma_start3A_20 = arith.constant 0 : i32
    %dma_start3A_21 = tpu.memref_slice %arg11[%add3A_19, %dma_start3A_20] : memref<10240x128xf32, #tpu.memory_space<vmem_shared>> -> memref<32x128xf32, #tpu.memory_space<vmem_shared>>
    %dma_start3A_22 = arith.constant 0 : i32
    %dma_start3A_23 = tpu.memref_slice %arg11[%add3A_19, %dma_start3A_22] : memref<10240x128xf32, #tpu.memory_space<vmem_shared>> -> memref<32x128xf32, #tpu.memory_space<vmem_shared>>
    tpu.enqueue_dma source(%arg10 : memref<32x128xf32, #tpu.memory_space<vmem>>) target(%dma_start3A_23 : memref<32x128xf32, #tpu.memory_space<vmem_shared>>) target_semaphore(%arg16 : memref<!tpu.dma_semaphore, #tpu.memory_space<semaphore_mem>>)
    %mul3A_24 = arith.constant 640 : i32
    %mul3A_25 = arith.muli %arg1, %mul3A_24 : i32
    %add3A_26 = arith.constant 64 : i32
    %add3A_27 = arith.addi %mul3A_25, %add3A_26 : i32
    %dma_start3A_28 = arith.constant 0 : i32
    %dma_start3A_29 = tpu.memref_slice %arg11[%add3A_27, %dma_start3A_28] : memref<10240x128xf32, #tpu.memory_space<vmem_shared>> -> memref<32x128xf32, #tpu.memory_space<vmem_shared>>
    %dma_start3A_30 = arith.constant 0 : i32
    %dma_start3A_31 = tpu.memref_slice %arg11[%add3A_27, %dma_start3A_30] : memref<10240x128xf32, #tpu.memory_space<vmem_shared>> -> memref<32x128xf32, #tpu.memory_space<vmem_shared>>
    tpu.enqueue_dma source(%arg10 : memref<32x128xf32, #tpu.memory_space<vmem>>) target(%dma_start3A_31 : memref<32x128xf32, #tpu.memory_space<vmem_shared>>) target_semaphore(%arg16 : memref<!tpu.dma_semaphore, #tpu.memory_space<semaphore_mem>>)
    %mul3A_32 = arith.constant 640 : i32
    %mul3A_33 = arith.muli %arg1, %mul3A_32 : i32
    %add3A_34 = arith.constant 96 : i32
    %add3A_35 = arith.addi %mul3A_33, %add3A_34 : i32
    %dma_start3A_36 = arith.constant 0 : i32
    %dma_start3A_37 = tpu.memref_slice %arg11[%add3A_35, %dma_start3A_36] : memref<10240x128xf32, #tpu.memory_space<vmem_shared>> -> memref<32x128xf32, #tpu.memory_space<vmem_shared>>
    %dma_start3A_38 = arith.constant 0 : i32
    %dma_start3A_39 = tpu.memref_slice %arg11[%add3A_35, %dma_start3A_38] : memref<10240x128xf32, #tpu.memory_space<vmem_shared>> -> memref<32x128xf32, #tpu.memory_space<vmem_shared>>
    tpu.enqueue_dma source(%arg10 : memref<32x128xf32, #tpu.memory_space<vmem>>) target(%dma_start3A_39 : memref<32x128xf32, #tpu.memory_space<vmem_shared>>) target_semaphore(%arg16 : memref<!tpu.dma_semaphore, #tpu.memory_space<semaphore_mem>>)
    %mul3A_40 = arith.constant 640 : i32
    %mul3A_41 = arith.muli %arg1, %mul3A_40 : i32
    %add3A_42 = arith.constant 128 : i32
    %add3A_43 = arith.addi %mul3A_41, %add3A_42 : i32
    %dma_start3A_44 = arith.constant 0 : i32
    %dma_start3A_45 = tpu.memref_slice %arg11[%add3A_43, %dma_start3A_44] : memref<10240x128xf32, #tpu.memory_space<vmem_shared>> -> memref<32x128xf32, #tpu.memory_space<vmem_shared>>
    %dma_start3A_46 = arith.constant 0 : i32
    %dma_start3A_47 = tpu.memref_slice %arg11[%add3A_43, %dma_start3A_46] : memref<10240x128xf32, #tpu.memory_space<vmem_shared>> -> memref<32x128xf32, #tpu.memory_space<vmem_shared>>
    tpu.enqueue_dma source(%arg10 : memref<32x128xf32, #tpu.memory_space<vmem>>) target(%dma_start3A_47 : memref<32x128xf32, #tpu.memory_space<vmem_shared>>) target_semaphore(%arg16 : memref<!tpu.dma_semaphore, #tpu.memory_space<semaphore_mem>>)
    %mul3A_48 = arith.constant 640 : i32
    %mul3A_49 = arith.muli %arg1, %mul3A_48 : i32
    %add3A_50 = arith.constant 160 : i32
    %add3A_51 = arith.addi %mul3A_49, %add3A_50 : i32
    %dma_start3A_52 = arith.constant 0 : i32
    %dma_start3A_53 = tpu.memref_slice %arg11[%add3A_51, %dma_start3A_52] : memref<10240x128xf32, #tpu.memory_space<vmem_shared>> -> memref<32x128xf32, #tpu.memory_space<vmem_shared>>
    %dma_start3A_54 = arith.constant 0 : i32
    %dma_start3A_55 = tpu.memref_slice %arg11[%add3A_51, %dma_start3A_54] : memref<10240x128xf32, #tpu.memory_space<vmem_shared>> -> memref<32x128xf32, #tpu.memory_space<vmem_shared>>
    tpu.enqueue_dma source(%arg10 : memref<32x128xf32, #tpu.memory_space<vmem>>) target(%dma_start3A_55 : memref<32x128xf32, #tpu.memory_space<vmem_shared>>) target_semaphore(%arg16 : memref<!tpu.dma_semaphore, #tpu.memory_space<semaphore_mem>>)
    %mul3A_56 = arith.constant 640 : i32
    %mul3A_57 = arith.muli %arg1, %mul3A_56 : i32
    %add3A_58 = arith.constant 192 : i32
    %add3A_59 = arith.addi %mul3A_57, %add3A_58 : i32
    %dma_start3A_60 = arith.constant 0 : i32
    %dma_start3A_61 = tpu.memref_slice %arg11[%add3A_59, %dma_start3A_60] : memref<10240x128xf32, #tpu.memory_space<vmem_shared>> -> memref<32x128xf32, #tpu.memory_space<vmem_shared>>
    %dma_start3A_62 = arith.constant 0 : i32
    %dma_start3A_63 = tpu.memref_slice %arg11[%add3A_59, %dma_start3A_62] : memref<10240x128xf32, #tpu.memory_space<vmem_shared>> -> memref<32x128xf32, #tpu.memory_space<vmem_shared>>
    tpu.enqueue_dma source(%arg10 : memref<32x128xf32, #tpu.memory_space<vmem>>) target(%dma_start3A_63 : memref<32x128xf32, #tpu.memory_space<vmem_shared>>) target_semaphore(%arg16 : memref<!tpu.dma_semaphore, #tpu.memory_space<semaphore_mem>>)
    %mul3A_64 = arith.constant 640 : i32
    %mul3A_65 = arith.muli %arg1, %mul3A_64 : i32
    %add3A_66 = arith.constant 224 : i32
    %add3A_67 = arith.addi %mul3A_65, %add3A_66 : i32
    %dma_start3A_68 = arith.constant 0 : i32
    %dma_start3A_69 = tpu.memref_slice %arg11[%add3A_67, %dma_start3A_68] : memref<10240x128xf32, #tpu.memory_space<vmem_shared>> -> memref<32x128xf32, #tpu.memory_space<vmem_shared>>
    %dma_start3A_70 = arith.constant 0 : i32
    %dma_start3A_71 = tpu.memref_slice %arg11[%add3A_67, %dma_start3A_70] : memref<10240x128xf32, #tpu.memory_space<vmem_shared>> -> memref<32x128xf32, #tpu.memory_space<vmem_shared>>
    tpu.enqueue_dma source(%arg10 : memref<32x128xf32, #tpu.memory_space<vmem>>) target(%dma_start3A_71 : memref<32x128xf32, #tpu.memory_space<vmem_shared>>) target_semaphore(%arg16 : memref<!tpu.dma_semaphore, #tpu.memory_space<semaphore_mem>>)
    %mul3A_72 = arith.constant 640 : i32
    %mul3A_73 = arith.muli %arg1, %mul3A_72 : i32
    %add3A_74 = arith.constant 256 : i32
    %add3A_75 = arith.addi %mul3A_73, %add3A_74 : i32
    %dma_start3A_76 = arith.constant 0 : i32
    %dma_start3A_77 = tpu.memref_slice %arg11[%add3A_75, %dma_start3A_76] : memref<10240x128xf32, #tpu.memory_space<vmem_shared>> -> memref<32x128xf32, #tpu.memory_space<vmem_shared>>
    %dma_start3A_78 = arith.constant 0 : i32
    %dma_start3A_79 = tpu.memref_slice %arg11[%add3A_75, %dma_start3A_78] : memref<10240x128xf32, #tpu.memory_space<vmem_shared>> -> memref<32x128xf32, #tpu.memory_space<vmem_shared>>
    tpu.enqueue_dma source(%arg10 : memref<32x128xf32, #tpu.memory_space<vmem>>) target(%dma_start3A_79 : memref<32x128xf32, #tpu.memory_space<vmem_shared>>) target_semaphore(%arg16 : memref<!tpu.dma_semaphore, #tpu.memory_space<semaphore_mem>>)
    %mul3A_80 = arith.constant 640 : i32
    %mul3A_81 = arith.muli %arg1, %mul3A_80 : i32
    %add3A_82 = arith.constant 288 : i32
    %add3A_83 = arith.addi %mul3A_81, %add3A_82 : i32
    %dma_start3A_84 = arith.constant 0 : i32
    %dma_start3A_85 = tpu.memref_slice %arg11[%add3A_83, %dma_start3A_84] : memref<10240x128xf32, #tpu.memory_space<vmem_shared>> -> memref<32x128xf32, #tpu.memory_space<vmem_shared>>
    %dma_start3A_86 = arith.constant 0 : i32
    %dma_start3A_87 = tpu.memref_slice %arg11[%add3A_83, %dma_start3A_86] : memref<10240x128xf32, #tpu.memory_space<vmem_shared>> -> memref<32x128xf32, #tpu.memory_space<vmem_shared>>
    tpu.enqueue_dma source(%arg10 : memref<32x128xf32, #tpu.memory_space<vmem>>) target(%dma_start3A_87 : memref<32x128xf32, #tpu.memory_space<vmem_shared>>) target_semaphore(%arg16 : memref<!tpu.dma_semaphore, #tpu.memory_space<semaphore_mem>>)
    %mul3A_88 = arith.constant 640 : i32
    %mul3A_89 = arith.muli %arg1, %mul3A_88 : i32
    %add3A_90 = arith.constant 320 : i32
    %add3A_91 = arith.addi %mul3A_89, %add3A_90 : i32
    %dma_start3A_92 = arith.constant 0 : i32
    %dma_start3A_93 = tpu.memref_slice %arg11[%add3A_91, %dma_start3A_92] : memref<10240x128xf32, #tpu.memory_space<vmem_shared>> -> memref<32x128xf32, #tpu.memory_space<vmem_shared>>
    %dma_start3A_94 = arith.constant 0 : i32
    %dma_start3A_95 = tpu.memref_slice %arg11[%add3A_91, %dma_start3A_94] : memref<10240x128xf32, #tpu.memory_space<vmem_shared>> -> memref<32x128xf32, #tpu.memory_space<vmem_shared>>
    tpu.enqueue_dma source(%arg10 : memref<32x128xf32, #tpu.memory_space<vmem>>) target(%dma_start3A_95 : memref<32x128xf32, #tpu.memory_space<vmem_shared>>) target_semaphore(%arg16 : memref<!tpu.dma_semaphore, #tpu.memory_space<semaphore_mem>>)
    %mul3A_96 = arith.constant 640 : i32
    %mul3A_97 = arith.muli %arg1, %mul3A_96 : i32
    %add3A_98 = arith.constant 352 : i32
    %add3A_99 = arith.addi %mul3A_97, %add3A_98 : i32
    %dma_start3A_100 = arith.constant 0 : i32
    %dma_start3A_101 = tpu.memref_slice %arg11[%add3A_99, %dma_start3A_100] : memref<10240x128xf32, #tpu.memory_space<vmem_shared>> -> memref<32x128xf32, #tpu.memory_space<vmem_shared>>
    %dma_start3A_102 = arith.constant 0 : i32
    %dma_start3A_103 = tpu.memref_slice %arg11[%add3A_99, %dma_start3A_102] : memref<10240x128xf32, #tpu.memory_space<vmem_shared>> -> memref<32x128xf32, #tpu.memory_space<vmem_shared>>
    tpu.enqueue_dma source(%arg10 : memref<32x128xf32, #tpu.memory_space<vmem>>) target(%dma_start3A_103 : memref<32x128xf32, #tpu.memory_space<vmem_shared>>) target_semaphore(%arg16 : memref<!tpu.dma_semaphore, #tpu.memory_space<semaphore_mem>>)
    %mul3A_104 = arith.constant 640 : i32
    %mul3A_105 = arith.muli %arg1, %mul3A_104 : i32
    %add3A_106 = arith.constant 384 : i32
    %add3A_107 = arith.addi %mul3A_105, %add3A_106 : i32
    %dma_start3A_108 = arith.constant 0 : i32
    %dma_start3A_109 = tpu.memref_slice %arg11[%add3A_107, %dma_start3A_108] : memref<10240x128xf32, #tpu.memory_space<vmem_shared>> -> memref<32x128xf32, #tpu.memory_space<vmem_shared>>
    %dma_start3A_110 = arith.constant 0 : i32
    %dma_start3A_111 = tpu.memref_slice %arg11[%add3A_107, %dma_start3A_110] : memref<10240x128xf32, #tpu.memory_space<vmem_shared>> -> memref<32x128xf32, #tpu.memory_space<vmem_shared>>
    tpu.enqueue_dma source(%arg10 : memref<32x128xf32, #tpu.memory_space<vmem>>) target(%dma_start3A_111 : memref<32x128xf32, #tpu.memory_space<vmem_shared>>) target_semaphore(%arg16 : memref<!tpu.dma_semaphore, #tpu.memory_space<semaphore_mem>>)
    %mul3A_112 = arith.constant 640 : i32
    %mul3A_113 = arith.muli %arg1, %mul3A_112 : i32
    %add3A_114 = arith.constant 416 : i32
    %add3A_115 = arith.addi %mul3A_113, %add3A_114 : i32
    %dma_start3A_116 = arith.constant 0 : i32
    %dma_start3A_117 = tpu.memref_slice %arg11[%add3A_115, %dma_start3A_116] : memref<10240x128xf32, #tpu.memory_space<vmem_shared>> -> memref<32x128xf32, #tpu.memory_space<vmem_shared>>
    %dma_start3A_118 = arith.constant 0 : i32
    %dma_start3A_119 = tpu.memref_slice %arg11[%add3A_115, %dma_start3A_118] : memref<10240x128xf32, #tpu.memory_space<vmem_shared>> -> memref<32x128xf32, #tpu.memory_space<vmem_shared>>
    tpu.enqueue_dma source(%arg10 : memref<32x128xf32, #tpu.memory_space<vmem>>) target(%dma_start3A_119 : memref<32x128xf32, #tpu.memory_space<vmem_shared>>) target_semaphore(%arg16 : memref<!tpu.dma_semaphore, #tpu.memory_space<semaphore_mem>>)
    %mul3A_120 = arith.constant 640 : i32
    %mul3A_121 = arith.muli %arg1, %mul3A_120 : i32
    %add3A_122 = arith.constant 448 : i32
    %add3A_123 = arith.addi %mul3A_121, %add3A_122 : i32
    %dma_start3A_124 = arith.constant 0 : i32
    %dma_start3A_125 = tpu.memref_slice %arg11[%add3A_123, %dma_start3A_124] : memref<10240x128xf32, #tpu.memory_space<vmem_shared>> -> memref<32x128xf32, #tpu.memory_space<vmem_shared>>
    %dma_start3A_126 = arith.constant 0 : i32
    %dma_start3A_127 = tpu.memref_slice %arg11[%add3A_123, %dma_start3A_126] : memref<10240x128xf32, #tpu.memory_space<vmem_shared>> -> memref<32x128xf32, #tpu.memory_space<vmem_shared>>
    tpu.enqueue_dma source(%arg10 : memref<32x128xf32, #tpu.memory_space<vmem>>) target(%dma_start3A_127 : memref<32x128xf32, #tpu.memory_space<vmem_shared>>) target_semaphore(%arg16 : memref<!tpu.dma_semaphore, #tpu.memory_space<semaphore_mem>>)
    %mul3A_128 = arith.constant 640 : i32
    %mul3A_129 = arith.muli %arg1, %mul3A_128 : i32
    %add3A_130 = arith.constant 480 : i32
    %add3A_131 = arith.addi %mul3A_129, %add3A_130 : i32
    %dma_start3A_132 = arith.constant 0 : i32
    %dma_start3A_133 = tpu.memref_slice %arg11[%add3A_131, %dma_start3A_132] : memref<10240x128xf32, #tpu.memory_space<vmem_shared>> -> memref<32x128xf32, #tpu.memory_space<vmem_shared>>
    %dma_start3A_134 = arith.constant 0 : i32
    %dma_start3A_135 = tpu.memref_slice %arg11[%add3A_131, %dma_start3A_134] : memref<10240x128xf32, #tpu.memory_space<vmem_shared>> -> memref<32x128xf32, #tpu.memory_space<vmem_shared>>
    tpu.enqueue_dma source(%arg10 : memref<32x128xf32, #tpu.memory_space<vmem>>) target(%dma_start3A_135 : memref<32x128xf32, #tpu.memory_space<vmem_shared>>) target_semaphore(%arg16 : memref<!tpu.dma_semaphore, #tpu.memory_space<semaphore_mem>>)
    %mul3A_136 = arith.constant 640 : i32
    %mul3A_137 = arith.muli %arg1, %mul3A_136 : i32
    %add3A_138 = arith.constant 512 : i32
    %add3A_139 = arith.addi %mul3A_137, %add3A_138 : i32
    %dma_start3A_140 = arith.constant 0 : i32
    %dma_start3A_141 = tpu.memref_slice %arg11[%add3A_139, %dma_start3A_140] : memref<10240x128xf32, #tpu.memory_space<vmem_shared>> -> memref<32x128xf32, #tpu.memory_space<vmem_shared>>
    %dma_start3A_142 = arith.constant 0 : i32
    %dma_start3A_143 = tpu.memref_slice %arg11[%add3A_139, %dma_start3A_142] : memref<10240x128xf32, #tpu.memory_space<vmem_shared>> -> memref<32x128xf32, #tpu.memory_space<vmem_shared>>
    tpu.enqueue_dma source(%arg10 : memref<32x128xf32, #tpu.memory_space<vmem>>) target(%dma_start3A_143 : memref<32x128xf32, #tpu.memory_space<vmem_shared>>) target_semaphore(%arg16 : memref<!tpu.dma_semaphore, #tpu.memory_space<semaphore_mem>>)
    %mul3A_144 = arith.constant 640 : i32
    %mul3A_145 = arith.muli %arg1, %mul3A_144 : i32
    %add3A_146 = arith.constant 544 : i32
    %add3A_147 = arith.addi %mul3A_145, %add3A_146 : i32
    %dma_start3A_148 = arith.constant 0 : i32
    %dma_start3A_149 = tpu.memref_slice %arg11[%add3A_147, %dma_start3A_148] : memref<10240x128xf32, #tpu.memory_space<vmem_shared>> -> memref<32x128xf32, #tpu.memory_space<vmem_shared>>
    %dma_start3A_150 = arith.constant 0 : i32
    %dma_start3A_151 = tpu.memref_slice %arg11[%add3A_147, %dma_start3A_150] : memref<10240x128xf32, #tpu.memory_space<vmem_shared>> -> memref<32x128xf32, #tpu.memory_space<vmem_shared>>
    tpu.enqueue_dma source(%arg10 : memref<32x128xf32, #tpu.memory_space<vmem>>) target(%dma_start3A_151 : memref<32x128xf32, #tpu.memory_space<vmem_shared>>) target_semaphore(%arg16 : memref<!tpu.dma_semaphore, #tpu.memory_space<semaphore_mem>>)
    %mul3A_152 = arith.constant 640 : i32
    %mul3A_153 = arith.muli %arg1, %mul3A_152 : i32
    %add3A_154 = arith.constant 576 : i32
    %add3A_155 = arith.addi %mul3A_153, %add3A_154 : i32
    %dma_start3A_156 = arith.constant 0 : i32
    %dma_start3A_157 = tpu.memref_slice %arg11[%add3A_155, %dma_start3A_156] : memref<10240x128xf32, #tpu.memory_space<vmem_shared>> -> memref<32x128xf32, #tpu.memory_space<vmem_shared>>
    %dma_start3A_158 = arith.constant 0 : i32
    %dma_start3A_159 = tpu.memref_slice %arg11[%add3A_155, %dma_start3A_158] : memref<10240x128xf32, #tpu.memory_space<vmem_shared>> -> memref<32x128xf32, #tpu.memory_space<vmem_shared>>
    tpu.enqueue_dma source(%arg10 : memref<32x128xf32, #tpu.memory_space<vmem>>) target(%dma_start3A_159 : memref<32x128xf32, #tpu.memory_space<vmem_shared>>) target_semaphore(%arg16 : memref<!tpu.dma_semaphore, #tpu.memory_space<semaphore_mem>>)
    %mul3A_160 = arith.constant 640 : i32
    %mul3A_161 = arith.muli %arg1, %mul3A_160 : i32
    %add3A_162 = arith.constant 608 : i32
    %add3A_163 = arith.addi %mul3A_161, %add3A_162 : i32
    %dma_start3A_164 = arith.constant 0 : i32
    %dma_start3A_165 = tpu.memref_slice %arg11[%add3A_163, %dma_start3A_164] : memref<10240x128xf32, #tpu.memory_space<vmem_shared>> -> memref<32x128xf32, #tpu.memory_space<vmem_shared>>
    %dma_start3A_166 = arith.constant 0 : i32
    %dma_start3A_167 = tpu.memref_slice %arg11[%add3A_163, %dma_start3A_166] : memref<10240x128xf32, #tpu.memory_space<vmem_shared>> -> memref<32x128xf32, #tpu.memory_space<vmem_shared>>
    tpu.enqueue_dma source(%arg10 : memref<32x128xf32, #tpu.memory_space<vmem>>) target(%dma_start3A_167 : memref<32x128xf32, #tpu.memory_space<vmem_shared>>) target_semaphore(%arg16 : memref<!tpu.dma_semaphore, #tpu.memory_space<semaphore_mem>>)
    "tpu.region"() ({
      %run_scoped3A = tpu.sem_alloc : memref<!tpu.dma_semaphore, #tpu.memory_space<semaphore_mem>>
      %dma_start3A_346 = arith.constant 0 : i32
      %dma_start3A_347 = tpu.memref_slice %arg2[%mul3A_8, %dma_start3A_346] : memref<2560x128xi32, #tpu.memory_space<hbm>> -> memref<16x128xi32, #tpu.memory_space<hbm>>
      %dma_start3A_348 = arith.constant 0 : i32
      %dma_start3A_349 = tpu.memref_slice %arg2[%mul3A_8, %dma_start3A_348] : memref<2560x128xi32, #tpu.memory_space<hbm>> -> memref<16x128xi32, #tpu.memory_space<hbm>>
      tpu.enqueue_dma source(%dma_start3A_349 : memref<16x128xi32, #tpu.memory_space<hbm>>) target(%arg6 : memref<16x128xi32, #tpu.memory_space<vmem>>) target_semaphore(%run_scoped3A : memref<!tpu.dma_semaphore, #tpu.memory_space<semaphore_mem>>)
      %dma_wait3A_350 = arith.constant 0 : i32
      %dma_wait3A_351 = tpu.memref_slice %arg2[%mul3A_8, %dma_wait3A_350] : memref<2560x128xi32, #tpu.memory_space<hbm>> -> memref<16x128xi32, #tpu.memory_space<hbm>>
      %dma_wait3A_352 = arith.constant 0 : i32
      %dma_wait3A_353 = tpu.memref_slice %arg2[%mul3A_8, %dma_wait3A_352] : memref<2560x128xi32, #tpu.memory_space<hbm>> -> memref<16x128xi32, #tpu.memory_space<hbm>>
      tpu.wait_dma2 semaphore(%run_scoped3A : memref<!tpu.dma_semaphore, #tpu.memory_space<semaphore_mem>>) src(%dma_wait3A_353 : memref<16x128xi32, #tpu.memory_space<hbm>>) dst(%arg6 : memref<16x128xi32, #tpu.memory_space<vmem>>)
      tpu.yield
    }) : () -> ()
    "tpu.region"() ({
      %run_scoped3A = tpu.sem_alloc : memref<!tpu.dma_semaphore, #tpu.memory_space<semaphore_mem>>
      %dma_start3A_346 = arith.constant 0 : i32
      %dma_start3A_347 = tpu.memref_slice %arg3[%mul3A_8, %dma_start3A_346] : memref<2560x128xi32, #tpu.memory_space<hbm>> -> memref<16x128xi32, #tpu.memory_space<hbm>>
      %dma_start3A_348 = arith.constant 0 : i32
      %dma_start3A_349 = tpu.memref_slice %arg3[%mul3A_8, %dma_start3A_348] : memref<2560x128xi32, #tpu.memory_space<hbm>> -> memref<16x128xi32, #tpu.memory_space<hbm>>
      tpu.enqueue_dma source(%dma_start3A_349 : memref<16x128xi32, #tpu.memory_space<hbm>>) target(%arg7 : memref<16x128xi32, #tpu.memory_space<vmem>>) target_semaphore(%run_scoped3A : memref<!tpu.dma_semaphore, #tpu.memory_space<semaphore_mem>>)
      %dma_wait3A_350 = arith.constant 0 : i32
      %dma_wait3A_351 = tpu.memref_slice %arg3[%mul3A_8, %dma_wait3A_350] : memref<2560x128xi32, #tpu.memory_space<hbm>> -> memref<16x128xi32, #tpu.memory_space<hbm>>
      %dma_wait3A_352 = arith.constant 0 : i32
      %dma_wait3A_353 = tpu.memref_slice %arg3[%mul3A_8, %dma_wait3A_352] : memref<2560x128xi32, #tpu.memory_space<hbm>> -> memref<16x128xi32, #tpu.memory_space<hbm>>
      tpu.wait_dma2 semaphore(%run_scoped3A : memref<!tpu.dma_semaphore, #tpu.memory_space<semaphore_mem>>) src(%dma_wait3A_353 : memref<16x128xi32, #tpu.memory_space<hbm>>) dst(%arg7 : memref<16x128xi32, #tpu.memory_space<vmem>>)
      tpu.yield
    }) : () -> ()
    %dma_start3A_168 = arith.constant 0 : i32
    %dma_start3A_169 = arith.constant 0 : i32
    %dma_start3A_170 = tpu.memref_slice %arg6[%dma_start3A_168, %dma_start3A_169] : memref<16x128xi32, #tpu.memory_space<vmem>> -> memref<1x128xi32, #tpu.memory_space<vmem>>
    %dma_start3A_171 = tpu.memref_squeeze %dma_start3A_170 : memref<1x128xi32, #tpu.memory_space<vmem>> -> memref<128xi32, #tpu.memory_space<vmem>>
    %dma_start3A_172 = arith.constant 0 : i32
    %dma_start3A_173 = arith.constant 0 : i32
    %dma_start3A_174 = tpu.memref_slice %arg4[%dma_start3A_172, %dma_start3A_173] : memref<10000x128xf32, #tpu.memory_space<hbm>> -> memref<10000x128xf32, #tpu.memory_space<hbm>>
    tpu.enqueue_indirect_dma source(%dma_start3A_174 : memref<10000x128xf32, #tpu.memory_space<hbm>>) target(%arg8 : memref<128x128xf32, #tpu.memory_space<vmem>>) offsets(%dma_start3A_171 : memref<128xi32, #tpu.memory_space<vmem>>) semaphore(%arg12 : memref<!tpu.dma_semaphore, #tpu.memory_space<semaphore_mem>>)
    %mul3A_175 = arith.constant 640 : i32
    %mul3A_176 = arith.muli %arg1, %mul3A_175 : i32
    %add3A_177 = arith.constant 0 : i32
    %add3A_178 = arith.addi %mul3A_176, %add3A_177 : i32
    %dma_wait3A = arith.constant 0 : i32
    %dma_wait3A_179 = tpu.memref_slice %arg11[%add3A_178, %dma_wait3A] : memref<10240x128xf32, #tpu.memory_space<vmem_shared>> -> memref<32x128xf32, #tpu.memory_space<vmem_shared>>
    %dma_wait3A_180 = arith.constant 0 : i32
    %dma_wait3A_181 = tpu.memref_slice %arg11[%add3A_178, %dma_wait3A_180] : memref<10240x128xf32, #tpu.memory_space<vmem_shared>> -> memref<32x128xf32, #tpu.memory_space<vmem_shared>>
    tpu.wait_dma2 semaphore(%arg16 : memref<!tpu.dma_semaphore, #tpu.memory_space<semaphore_mem>>) src(%arg10 : memref<32x128xf32, #tpu.memory_space<vmem>>) dst(%dma_wait3A_181 : memref<32x128xf32, #tpu.memory_space<vmem_shared>>)
    %mul3A_182 = arith.constant 640 : i32
    %mul3A_183 = arith.muli %arg1, %mul3A_182 : i32
    %add3A_184 = arith.constant 32 : i32
    %add3A_185 = arith.addi %mul3A_183, %add3A_184 : i32
    %dma_wait3A_186 = arith.constant 0 : i32
    %dma_wait3A_187 = tpu.memref_slice %arg11[%add3A_185, %dma_wait3A_186] : memref<10240x128xf32, #tpu.memory_space<vmem_shared>> -> memref<32x128xf32, #tpu.memory_space<vmem_shared>>
    %dma_wait3A_188 = arith.constant 0 : i32
    %dma_wait3A_189 = tpu.memref_slice %arg11[%add3A_185, %dma_wait3A_188] : memref<10240x128xf32, #tpu.memory_space<vmem_shared>> -> memref<32x128xf32, #tpu.memory_space<vmem_shared>>
    tpu.wait_dma2 semaphore(%arg16 : memref<!tpu.dma_semaphore, #tpu.memory_space<semaphore_mem>>) src(%arg10 : memref<32x128xf32, #tpu.memory_space<vmem>>) dst(%dma_wait3A_189 : memref<32x128xf32, #tpu.memory_space<vmem_shared>>)
    %mul3A_190 = arith.constant 640 : i32
    %mul3A_191 = arith.muli %arg1, %mul3A_190 : i32
    %add3A_192 = arith.constant 64 : i32
    %add3A_193 = arith.addi %mul3A_191, %add3A_192 : i32
    %dma_wait3A_194 = arith.constant 0 : i32
    %dma_wait3A_195 = tpu.memref_slice %arg11[%add3A_193, %dma_wait3A_194] : memref<10240x128xf32, #tpu.memory_space<vmem_shared>> -> memref<32x128xf32, #tpu.memory_space<vmem_shared>>
    %dma_wait3A_196 = arith.constant 0 : i32
    %dma_wait3A_197 = tpu.memref_slice %arg11[%add3A_193, %dma_wait3A_196] : memref<10240x128xf32, #tpu.memory_space<vmem_shared>> -> memref<32x128xf32, #tpu.memory_space<vmem_shared>>
    tpu.wait_dma2 semaphore(%arg16 : memref<!tpu.dma_semaphore, #tpu.memory_space<semaphore_mem>>) src(%arg10 : memref<32x128xf32, #tpu.memory_space<vmem>>) dst(%dma_wait3A_197 : memref<32x128xf32, #tpu.memory_space<vmem_shared>>)
    %mul3A_198 = arith.constant 640 : i32
    %mul3A_199 = arith.muli %arg1, %mul3A_198 : i32
    %add3A_200 = arith.constant 96 : i32
    %add3A_201 = arith.addi %mul3A_199, %add3A_200 : i32
    %dma_wait3A_202 = arith.constant 0 : i32
    %dma_wait3A_203 = tpu.memref_slice %arg11[%add3A_201, %dma_wait3A_202] : memref<10240x128xf32, #tpu.memory_space<vmem_shared>> -> memref<32x128xf32, #tpu.memory_space<vmem_shared>>
    %dma_wait3A_204 = arith.constant 0 : i32
    %dma_wait3A_205 = tpu.memref_slice %arg11[%add3A_201, %dma_wait3A_204] : memref<10240x128xf32, #tpu.memory_space<vmem_shared>> -> memref<32x128xf32, #tpu.memory_space<vmem_shared>>
    tpu.wait_dma2 semaphore(%arg16 : memref<!tpu.dma_semaphore, #tpu.memory_space<semaphore_mem>>) src(%arg10 : memref<32x128xf32, #tpu.memory_space<vmem>>) dst(%dma_wait3A_205 : memref<32x128xf32, #tpu.memory_space<vmem_shared>>)
    %mul3A_206 = arith.constant 640 : i32
    %mul3A_207 = arith.muli %arg1, %mul3A_206 : i32
    %add3A_208 = arith.constant 128 : i32
    %add3A_209 = arith.addi %mul3A_207, %add3A_208 : i32
    %dma_wait3A_210 = arith.constant 0 : i32
    %dma_wait3A_211 = tpu.memref_slice %arg11[%add3A_209, %dma_wait3A_210] : memref<10240x128xf32, #tpu.memory_space<vmem_shared>> -> memref<32x128xf32, #tpu.memory_space<vmem_shared>>
    %dma_wait3A_212 = arith.constant 0 : i32
    %dma_wait3A_213 = tpu.memref_slice %arg11[%add3A_209, %dma_wait3A_212] : memref<10240x128xf32, #tpu.memory_space<vmem_shared>> -> memref<32x128xf32, #tpu.memory_space<vmem_shared>>
    tpu.wait_dma2 semaphore(%arg16 : memref<!tpu.dma_semaphore, #tpu.memory_space<semaphore_mem>>) src(%arg10 : memref<32x128xf32, #tpu.memory_space<vmem>>) dst(%dma_wait3A_213 : memref<32x128xf32, #tpu.memory_space<vmem_shared>>)
    %mul3A_214 = arith.constant 640 : i32
    %mul3A_215 = arith.muli %arg1, %mul3A_214 : i32
    %add3A_216 = arith.constant 160 : i32
    %add3A_217 = arith.addi %mul3A_215, %add3A_216 : i32
    %dma_wait3A_218 = arith.constant 0 : i32
    %dma_wait3A_219 = tpu.memref_slice %arg11[%add3A_217, %dma_wait3A_218] : memref<10240x128xf32, #tpu.memory_space<vmem_shared>> -> memref<32x128xf32, #tpu.memory_space<vmem_shared>>
    %dma_wait3A_220 = arith.constant 0 : i32
    %dma_wait3A_221 = tpu.memref_slice %arg11[%add3A_217, %dma_wait3A_220] : memref<10240x128xf32, #tpu.memory_space<vmem_shared>> -> memref<32x128xf32, #tpu.memory_space<vmem_shared>>
    tpu.wait_dma2 semaphore(%arg16 : memref<!tpu.dma_semaphore, #tpu.memory_space<semaphore_mem>>) src(%arg10 : memref<32x128xf32, #tpu.memory_space<vmem>>) dst(%dma_wait3A_221 : memref<32x128xf32, #tpu.memory_space<vmem_shared>>)
    %mul3A_222 = arith.constant 640 : i32
    %mul3A_223 = arith.muli %arg1, %mul3A_222 : i32
    %add3A_224 = arith.constant 192 : i32
    %add3A_225 = arith.addi %mul3A_223, %add3A_224 : i32
    %dma_wait3A_226 = arith.constant 0 : i32
    %dma_wait3A_227 = tpu.memref_slice %arg11[%add3A_225, %dma_wait3A_226] : memref<10240x128xf32, #tpu.memory_space<vmem_shared>> -> memref<32x128xf32, #tpu.memory_space<vmem_shared>>
    %dma_wait3A_228 = arith.constant 0 : i32
    %dma_wait3A_229 = tpu.memref_slice %arg11[%add3A_225, %dma_wait3A_228] : memref<10240x128xf32, #tpu.memory_space<vmem_shared>> -> memref<32x128xf32, #tpu.memory_space<vmem_shared>>
    tpu.wait_dma2 semaphore(%arg16 : memref<!tpu.dma_semaphore, #tpu.memory_space<semaphore_mem>>) src(%arg10 : memref<32x128xf32, #tpu.memory_space<vmem>>) dst(%dma_wait3A_229 : memref<32x128xf32, #tpu.memory_space<vmem_shared>>)
    %mul3A_230 = arith.constant 640 : i32
    %mul3A_231 = arith.muli %arg1, %mul3A_230 : i32
    %add3A_232 = arith.constant 224 : i32
    %add3A_233 = arith.addi %mul3A_231, %add3A_232 : i32
    %dma_wait3A_234 = arith.constant 0 : i32
    %dma_wait3A_235 = tpu.memref_slice %arg11[%add3A_233, %dma_wait3A_234] : memref<10240x128xf32, #tpu.memory_space<vmem_shared>> -> memref<32x128xf32, #tpu.memory_space<vmem_shared>>
    %dma_wait3A_236 = arith.constant 0 : i32
    %dma_wait3A_237 = tpu.memref_slice %arg11[%add3A_233, %dma_wait3A_236] : memref<10240x128xf32, #tpu.memory_space<vmem_shared>> -> memref<32x128xf32, #tpu.memory_space<vmem_shared>>
    tpu.wait_dma2 semaphore(%arg16 : memref<!tpu.dma_semaphore, #tpu.memory_space<semaphore_mem>>) src(%arg10 : memref<32x128xf32, #tpu.memory_space<vmem>>) dst(%dma_wait3A_237 : memref<32x128xf32, #tpu.memory_space<vmem_shared>>)
    %mul3A_238 = arith.constant 640 : i32
    %mul3A_239 = arith.muli %arg1, %mul3A_238 : i32
    %add3A_240 = arith.constant 256 : i32
    %add3A_241 = arith.addi %mul3A_239, %add3A_240 : i32
    %dma_wait3A_242 = arith.constant 0 : i32
    %dma_wait3A_243 = tpu.memref_slice %arg11[%add3A_241, %dma_wait3A_242] : memref<10240x128xf32, #tpu.memory_space<vmem_shared>> -> memref<32x128xf32, #tpu.memory_space<vmem_shared>>
    %dma_wait3A_244 = arith.constant 0 : i32
    %dma_wait3A_245 = tpu.memref_slice %arg11[%add3A_241, %dma_wait3A_244] : memref<10240x128xf32, #tpu.memory_space<vmem_shared>> -> memref<32x128xf32, #tpu.memory_space<vmem_shared>>
    tpu.wait_dma2 semaphore(%arg16 : memref<!tpu.dma_semaphore, #tpu.memory_space<semaphore_mem>>) src(%arg10 : memref<32x128xf32, #tpu.memory_space<vmem>>) dst(%dma_wait3A_245 : memref<32x128xf32, #tpu.memory_space<vmem_shared>>)
    %mul3A_246 = arith.constant 640 : i32
    %mul3A_247 = arith.muli %arg1, %mul3A_246 : i32
    %add3A_248 = arith.constant 288 : i32
    %add3A_249 = arith.addi %mul3A_247, %add3A_248 : i32
    %dma_wait3A_250 = arith.constant 0 : i32
    %dma_wait3A_251 = tpu.memref_slice %arg11[%add3A_249, %dma_wait3A_250] : memref<10240x128xf32, #tpu.memory_space<vmem_shared>> -> memref<32x128xf32, #tpu.memory_space<vmem_shared>>
    %dma_wait3A_252 = arith.constant 0 : i32
    %dma_wait3A_253 = tpu.memref_slice %arg11[%add3A_249, %dma_wait3A_252] : memref<10240x128xf32, #tpu.memory_space<vmem_shared>> -> memref<32x128xf32, #tpu.memory_space<vmem_shared>>
    tpu.wait_dma2 semaphore(%arg16 : memref<!tpu.dma_semaphore, #tpu.memory_space<semaphore_mem>>) src(%arg10 : memref<32x128xf32, #tpu.memory_space<vmem>>) dst(%dma_wait3A_253 : memref<32x128xf32, #tpu.memory_space<vmem_shared>>)
    %mul3A_254 = arith.constant 640 : i32
    %mul3A_255 = arith.muli %arg1, %mul3A_254 : i32
    %add3A_256 = arith.constant 320 : i32
    %add3A_257 = arith.addi %mul3A_255, %add3A_256 : i32
    %dma_wait3A_258 = arith.constant 0 : i32
    %dma_wait3A_259 = tpu.memref_slice %arg11[%add3A_257, %dma_wait3A_258] : memref<10240x128xf32, #tpu.memory_space<vmem_shared>> -> memref<32x128xf32, #tpu.memory_space<vmem_shared>>
    %dma_wait3A_260 = arith.constant 0 : i32
    %dma_wait3A_261 = tpu.memref_slice %arg11[%add3A_257, %dma_wait3A_260] : memref<10240x128xf32, #tpu.memory_space<vmem_shared>> -> memref<32x128xf32, #tpu.memory_space<vmem_shared>>
    tpu.wait_dma2 semaphore(%arg16 : memref<!tpu.dma_semaphore, #tpu.memory_space<semaphore_mem>>) src(%arg10 : memref<32x128xf32, #tpu.memory_space<vmem>>) dst(%dma_wait3A_261 : memref<32x128xf32, #tpu.memory_space<vmem_shared>>)
    %mul3A_262 = arith.constant 640 : i32
    %mul3A_263 = arith.muli %arg1, %mul3A_262 : i32
    %add3A_264 = arith.constant 352 : i32
    %add3A_265 = arith.addi %mul3A_263, %add3A_264 : i32
    %dma_wait3A_266 = arith.constant 0 : i32
    %dma_wait3A_267 = tpu.memref_slice %arg11[%add3A_265, %dma_wait3A_266] : memref<10240x128xf32, #tpu.memory_space<vmem_shared>> -> memref<32x128xf32, #tpu.memory_space<vmem_shared>>
    %dma_wait3A_268 = arith.constant 0 : i32
    %dma_wait3A_269 = tpu.memref_slice %arg11[%add3A_265, %dma_wait3A_268] : memref<10240x128xf32, #tpu.memory_space<vmem_shared>> -> memref<32x128xf32, #tpu.memory_space<vmem_shared>>
    tpu.wait_dma2 semaphore(%arg16 : memref<!tpu.dma_semaphore, #tpu.memory_space<semaphore_mem>>) src(%arg10 : memref<32x128xf32, #tpu.memory_space<vmem>>) dst(%dma_wait3A_269 : memref<32x128xf32, #tpu.memory_space<vmem_shared>>)
    %mul3A_270 = arith.constant 640 : i32
    %mul3A_271 = arith.muli %arg1, %mul3A_270 : i32
    %add3A_272 = arith.constant 384 : i32
    %add3A_273 = arith.addi %mul3A_271, %add3A_272 : i32
    %dma_wait3A_274 = arith.constant 0 : i32
    %dma_wait3A_275 = tpu.memref_slice %arg11[%add3A_273, %dma_wait3A_274] : memref<10240x128xf32, #tpu.memory_space<vmem_shared>> -> memref<32x128xf32, #tpu.memory_space<vmem_shared>>
    %dma_wait3A_276 = arith.constant 0 : i32
    %dma_wait3A_277 = tpu.memref_slice %arg11[%add3A_273, %dma_wait3A_276] : memref<10240x128xf32, #tpu.memory_space<vmem_shared>> -> memref<32x128xf32, #tpu.memory_space<vmem_shared>>
    tpu.wait_dma2 semaphore(%arg16 : memref<!tpu.dma_semaphore, #tpu.memory_space<semaphore_mem>>) src(%arg10 : memref<32x128xf32, #tpu.memory_space<vmem>>) dst(%dma_wait3A_277 : memref<32x128xf32, #tpu.memory_space<vmem_shared>>)
    %mul3A_278 = arith.constant 640 : i32
    %mul3A_279 = arith.muli %arg1, %mul3A_278 : i32
    %add3A_280 = arith.constant 416 : i32
    %add3A_281 = arith.addi %mul3A_279, %add3A_280 : i32
    %dma_wait3A_282 = arith.constant 0 : i32
    %dma_wait3A_283 = tpu.memref_slice %arg11[%add3A_281, %dma_wait3A_282] : memref<10240x128xf32, #tpu.memory_space<vmem_shared>> -> memref<32x128xf32, #tpu.memory_space<vmem_shared>>
    %dma_wait3A_284 = arith.constant 0 : i32
    %dma_wait3A_285 = tpu.memref_slice %arg11[%add3A_281, %dma_wait3A_284] : memref<10240x128xf32, #tpu.memory_space<vmem_shared>> -> memref<32x128xf32, #tpu.memory_space<vmem_shared>>
    tpu.wait_dma2 semaphore(%arg16 : memref<!tpu.dma_semaphore, #tpu.memory_space<semaphore_mem>>) src(%arg10 : memref<32x128xf32, #tpu.memory_space<vmem>>) dst(%dma_wait3A_285 : memref<32x128xf32, #tpu.memory_space<vmem_shared>>)
    %mul3A_286 = arith.constant 640 : i32
    %mul3A_287 = arith.muli %arg1, %mul3A_286 : i32
    %add3A_288 = arith.constant 448 : i32
    %add3A_289 = arith.addi %mul3A_287, %add3A_288 : i32
    %dma_wait3A_290 = arith.constant 0 : i32
    %dma_wait3A_291 = tpu.memref_slice %arg11[%add3A_289, %dma_wait3A_290] : memref<10240x128xf32, #tpu.memory_space<vmem_shared>> -> memref<32x128xf32, #tpu.memory_space<vmem_shared>>
    %dma_wait3A_292 = arith.constant 0 : i32
    %dma_wait3A_293 = tpu.memref_slice %arg11[%add3A_289, %dma_wait3A_292] : memref<10240x128xf32, #tpu.memory_space<vmem_shared>> -> memref<32x128xf32, #tpu.memory_space<vmem_shared>>
    tpu.wait_dma2 semaphore(%arg16 : memref<!tpu.dma_semaphore, #tpu.memory_space<semaphore_mem>>) src(%arg10 : memref<32x128xf32, #tpu.memory_space<vmem>>) dst(%dma_wait3A_293 : memref<32x128xf32, #tpu.memory_space<vmem_shared>>)
    %mul3A_294 = arith.constant 640 : i32
    %mul3A_295 = arith.muli %arg1, %mul3A_294 : i32
    %add3A_296 = arith.constant 480 : i32
    %add3A_297 = arith.addi %mul3A_295, %add3A_296 : i32
    %dma_wait3A_298 = arith.constant 0 : i32
    %dma_wait3A_299 = tpu.memref_slice %arg11[%add3A_297, %dma_wait3A_298] : memref<10240x128xf32, #tpu.memory_space<vmem_shared>> -> memref<32x128xf32, #tpu.memory_space<vmem_shared>>
    %dma_wait3A_300 = arith.constant 0 : i32
    %dma_wait3A_301 = tpu.memref_slice %arg11[%add3A_297, %dma_wait3A_300] : memref<10240x128xf32, #tpu.memory_space<vmem_shared>> -> memref<32x128xf32, #tpu.memory_space<vmem_shared>>
    tpu.wait_dma2 semaphore(%arg16 : memref<!tpu.dma_semaphore, #tpu.memory_space<semaphore_mem>>) src(%arg10 : memref<32x128xf32, #tpu.memory_space<vmem>>) dst(%dma_wait3A_301 : memref<32x128xf32, #tpu.memory_space<vmem_shared>>)
    %mul3A_302 = arith.constant 640 : i32
    %mul3A_303 = arith.muli %arg1, %mul3A_302 : i32
    %add3A_304 = arith.constant 512 : i32
    %add3A_305 = arith.addi %mul3A_303, %add3A_304 : i32
    %dma_wait3A_306 = arith.constant 0 : i32
    %dma_wait3A_307 = tpu.memref_slice %arg11[%add3A_305, %dma_wait3A_306] : memref<10240x128xf32, #tpu.memory_space<vmem_shared>> -> memref<32x128xf32, #tpu.memory_space<vmem_shared>>
    %dma_wait3A_308 = arith.constant 0 : i32
    %dma_wait3A_309 = tpu.memref_slice %arg11[%add3A_305, %dma_wait3A_308] : memref<10240x128xf32, #tpu.memory_space<vmem_shared>> -> memref<32x128xf32, #tpu.memory_space<vmem_shared>>
    tpu.wait_dma2 semaphore(%arg16 : memref<!tpu.dma_semaphore, #tpu.memory_space<semaphore_mem>>) src(%arg10 : memref<32x128xf32, #tpu.memory_space<vmem>>) dst(%dma_wait3A_309 : memref<32x128xf32, #tpu.memory_space<vmem_shared>>)
    %mul3A_310 = arith.constant 640 : i32
    %mul3A_311 = arith.muli %arg1, %mul3A_310 : i32
    %add3A_312 = arith.constant 544 : i32
    %add3A_313 = arith.addi %mul3A_311, %add3A_312 : i32
    %dma_wait3A_314 = arith.constant 0 : i32
    %dma_wait3A_315 = tpu.memref_slice %arg11[%add3A_313, %dma_wait3A_314] : memref<10240x128xf32, #tpu.memory_space<vmem_shared>> -> memref<32x128xf32, #tpu.memory_space<vmem_shared>>
    %dma_wait3A_316 = arith.constant 0 : i32
    %dma_wait3A_317 = tpu.memref_slice %arg11[%add3A_313, %dma_wait3A_316] : memref<10240x128xf32, #tpu.memory_space<vmem_shared>> -> memref<32x128xf32, #tpu.memory_space<vmem_shared>>
    tpu.wait_dma2 semaphore(%arg16 : memref<!tpu.dma_semaphore, #tpu.memory_space<semaphore_mem>>) src(%arg10 : memref<32x128xf32, #tpu.memory_space<vmem>>) dst(%dma_wait3A_317 : memref<32x128xf32, #tpu.memory_space<vmem_shared>>)
    %mul3A_318 = arith.constant 640 : i32
    %mul3A_319 = arith.muli %arg1, %mul3A_318 : i32
    %add3A_320 = arith.constant 576 : i32
    %add3A_321 = arith.addi %mul3A_319, %add3A_320 : i32
    %dma_wait3A_322 = arith.constant 0 : i32
    %dma_wait3A_323 = tpu.memref_slice %arg11[%add3A_321, %dma_wait3A_322] : memref<10240x128xf32, #tpu.memory_space<vmem_shared>> -> memref<32x128xf32, #tpu.memory_space<vmem_shared>>
    %dma_wait3A_324 = arith.constant 0 : i32
    %dma_wait3A_325 = tpu.memref_slice %arg11[%add3A_321, %dma_wait3A_324] : memref<10240x128xf32, #tpu.memory_space<vmem_shared>> -> memref<32x128xf32, #tpu.memory_space<vmem_shared>>
    tpu.wait_dma2 semaphore(%arg16 : memref<!tpu.dma_semaphore, #tpu.memory_space<semaphore_mem>>) src(%arg10 : memref<32x128xf32, #tpu.memory_space<vmem>>) dst(%dma_wait3A_325 : memref<32x128xf32, #tpu.memory_space<vmem_shared>>)
    %mul3A_326 = arith.constant 640 : i32
    %mul3A_327 = arith.muli %arg1, %mul3A_326 : i32
    %add3A_328 = arith.constant 608 : i32
    %add3A_329 = arith.addi %mul3A_327, %add3A_328 : i32
    %dma_wait3A_330 = arith.constant 0 : i32
    %dma_wait3A_331 = tpu.memref_slice %arg11[%add3A_329, %dma_wait3A_330] : memref<10240x128xf32, #tpu.memory_space<vmem_shared>> -> memref<32x128xf32, #tpu.memory_space<vmem_shared>>
    %dma_wait3A_332 = arith.constant 0 : i32
    %dma_wait3A_333 = tpu.memref_slice %arg11[%add3A_329, %dma_wait3A_332] : memref<10240x128xf32, #tpu.memory_space<vmem_shared>> -> memref<32x128xf32, #tpu.memory_space<vmem_shared>>
    tpu.wait_dma2 semaphore(%arg16 : memref<!tpu.dma_semaphore, #tpu.memory_space<semaphore_mem>>) src(%arg10 : memref<32x128xf32, #tpu.memory_space<vmem>>) dst(%dma_wait3A_333 : memref<32x128xf32, #tpu.memory_space<vmem_shared>>)
    %barrier3A = arith.constant 0 : index
    tpu.barrier barrier_id(%barrier3A)
    %scan3A_334 = arith.constant 0 : i32
    %scan3A_335 = arith.constant 0 : i32
    %scan3A_336 = arith.constant 5 : i32
    %scan3A_337 = arith.addi %scan3A_335, %scan3A_336 : i32
    %scan3A_338 = arith.constant 1 : i32
    %scan3A_339 = scf.for %scan3A_346 = %scan3A_335 to %scan3A_337 step %scan3A_338 iter_args(%scan3A_347 = %scan3A_334) -> (i32)  : i32 {
      %mul3A_348 = arith.constant 16 : i32
      %mul3A_349 = arith.muli %scan3A_346, %mul3A_348 : i32
      %add3A_350 = arith.addi %mul3A_8, %mul3A_349 : i32
      %gt3A = arith.constant 0 : i32
      %gt3A_351 = arith.cmpi sgt, %scan3A_346, %gt3A : i32
      %convert_element_type3A = arith.extui %gt3A_351 : i1 to i32
      %cond3A = arith.constant 0 : i32
      %cond3A_352 = arith.cmpi ne, %convert_element_type3A, %cond3A : i32
      scf.if %cond3A_352 {
        "tpu.region"() ({
          %run_scoped3A = tpu.sem_alloc : memref<!tpu.dma_semaphore, #tpu.memory_space<semaphore_mem>>
          %dma_start3A_375 = arith.constant 0 : i32
          %dma_start3A_376 = tpu.memref_slice %arg2[%add3A_350, %dma_start3A_375] : memref<2560x128xi32, #tpu.memory_space<hbm>> -> memref<16x128xi32, #tpu.memory_space<hbm>>
          %dma_start3A_377 = arith.constant 0 : i32
          %dma_start3A_378 = tpu.memref_slice %arg2[%add3A_350, %dma_start3A_377] : memref<2560x128xi32, #tpu.memory_space<hbm>> -> memref<16x128xi32, #tpu.memory_space<hbm>>
          tpu.enqueue_dma source(%dma_start3A_378 : memref<16x128xi32, #tpu.memory_space<hbm>>) target(%arg6 : memref<16x128xi32, #tpu.memory_space<vmem>>) target_semaphore(%run_scoped3A : memref<!tpu.dma_semaphore, #tpu.memory_space<semaphore_mem>>)
          %dma_wait3A_379 = arith.constant 0 : i32
          %dma_wait3A_380 = tpu.memref_slice %arg2[%add3A_350, %dma_wait3A_379] : memref<2560x128xi32, #tpu.memory_space<hbm>> -> memref<16x128xi32, #tpu.memory_space<hbm>>
          %dma_wait3A_381 = arith.constant 0 : i32
          %dma_wait3A_382 = tpu.memref_slice %arg2[%add3A_350, %dma_wait3A_381] : memref<2560x128xi32, #tpu.memory_space<hbm>> -> memref<16x128xi32, #tpu.memory_space<hbm>>
          tpu.wait_dma2 semaphore(%run_scoped3A : memref<!tpu.dma_semaphore, #tpu.memory_space<semaphore_mem>>) src(%dma_wait3A_382 : memref<16x128xi32, #tpu.memory_space<hbm>>) dst(%arg6 : memref<16x128xi32, #tpu.memory_space<vmem>>)
          tpu.yield
        }) : () -> ()
        "tpu.region"() ({
          %run_scoped3A = tpu.sem_alloc : memref<!tpu.dma_semaphore, #tpu.memory_space<semaphore_mem>>
          %dma_start3A_375 = arith.constant 0 : i32
          %dma_start3A_376 = tpu.memref_slice %arg3[%add3A_350, %dma_start3A_375] : memref<2560x128xi32, #tpu.memory_space<hbm>> -> memref<16x128xi32, #tpu.memory_space<hbm>>
          %dma_start3A_377 = arith.constant 0 : i32
          %dma_start3A_378 = tpu.memref_slice %arg3[%add3A_350, %dma_start3A_377] : memref<2560x128xi32, #tpu.memory_space<hbm>> -> memref<16x128xi32, #tpu.memory_space<hbm>>
          tpu.enqueue_dma source(%dma_start3A_378 : memref<16x128xi32, #tpu.memory_space<hbm>>) target(%arg7 : memref<16x128xi32, #tpu.memory_space<vmem>>) target_semaphore(%run_scoped3A : memref<!tpu.dma_semaphore, #tpu.memory_space<semaphore_mem>>)
          %dma_wait3A_379 = arith.constant 0 : i32
          %dma_wait3A_380 = tpu.memref_slice %arg3[%add3A_350, %dma_wait3A_379] : memref<2560x128xi32, #tpu.memory_space<hbm>> -> memref<16x128xi32, #tpu.memory_space<hbm>>
          %dma_wait3A_381 = arith.constant 0 : i32
          %dma_wait3A_382 = tpu.memref_slice %arg3[%add3A_350, %dma_wait3A_381] : memref<2560x128xi32, #tpu.memory_space<hbm>> -> memref<16x128xi32, #tpu.memory_space<hbm>>
          tpu.wait_dma2 semaphore(%run_scoped3A : memref<!tpu.dma_semaphore, #tpu.memory_space<semaphore_mem>>) src(%dma_wait3A_382 : memref<16x128xi32, #tpu.memory_space<hbm>>) dst(%arg7 : memref<16x128xi32, #tpu.memory_space<vmem>>)
          tpu.yield
        }) : () -> ()
        %dma_start3A_368 = arith.constant 0 : i32
        %dma_start3A_369 = arith.constant 0 : i32
        %dma_start3A_370 = tpu.memref_slice %arg6[%dma_start3A_368, %dma_start3A_369] : memref<16x128xi32, #tpu.memory_space<vmem>> -> memref<1x128xi32, #tpu.memory_space<vmem>>
        %dma_start3A_371 = tpu.memref_squeeze %dma_start3A_370 : memref<1x128xi32, #tpu.memory_space<vmem>> -> memref<128xi32, #tpu.memory_space<vmem>>
        %dma_start3A_372 = arith.constant 0 : i32
        %dma_start3A_373 = arith.constant 0 : i32
        %dma_start3A_374 = tpu.memref_slice %arg4[%dma_start3A_372, %dma_start3A_373] : memref<10000x128xf32, #tpu.memory_space<hbm>> -> memref<10000x128xf32, #tpu.memory_space<hbm>>
        tpu.enqueue_indirect_dma source(%dma_start3A_374 : memref<10000x128xf32, #tpu.memory_space<hbm>>) target(%arg8 : memref<128x128xf32, #tpu.memory_space<vmem>>) offsets(%dma_start3A_371 : memref<128xi32, #tpu.memory_space<vmem>>) semaphore(%arg12 : memref<!tpu.dma_semaphore, #tpu.memory_space<semaphore_mem>>)
      } else {
      }
      %scan3A_353 = arith.constant 0 : i32
      %scan3A_354 = arith.constant 0 : i32
      %scan3A_355 = arith.constant 8 : i32
      %scan3A_356 = arith.addi %scan3A_354, %scan3A_355 : i32
      %scan3A_357 = arith.constant 1 : i32
      %scan3A_358 = scf.for %scan3A_368 = %scan3A_354 to %scan3A_356 step %scan3A_357 iter_args(%scan3A_369 = %scan3A_353) -> (i32)  : i32 {
        %mul3A_370 = arith.constant 2 : i32
        %mul3A_371 = arith.muli %mul3A_370, %scan3A_368 : i32
        %gt3A_372 = arith.constant 0 : i32
        %gt3A_373 = arith.cmpi sgt, %scan3A_368, %gt3A_372 : i32
        %convert_element_type3A_374 = arith.extui %gt3A_373 : i1 to i32
        %cond3A_375 = arith.constant 0 : i32
        %cond3A_376 = arith.cmpi ne, %convert_element_type3A_374, %cond3A_375 : i32
        scf.if %cond3A_376 {
          %sub3A = arith.constant 1 : i32
          %sub3A_426 = arith.subi %mul3A_371, %sub3A : i32
          %dma_wait3A_427 = arith.constant 0 : i32
          %dma_wait3A_428 = tpu.memref_slice %arg7[%sub3A_426, %dma_wait3A_427] : memref<16x128xi32, #tpu.memory_space<vmem>> -> memref<1x128xi32, #tpu.memory_space<vmem>>
          %dma_wait3A_429 = tpu.memref_squeeze %dma_wait3A_428 : memref<1x128xi32, #tpu.memory_space<vmem>> -> memref<128xi32, #tpu.memory_space<vmem>>
          %dma_wait3A_430 = arith.constant 0 : i32
          %dma_wait3A_431 = arith.constant 0 : i32
          %dma_wait3A_432 = tpu.memref_slice %arg11[%dma_wait3A_430, %dma_wait3A_431] : memref<10240x128xf32, #tpu.memory_space<vmem_shared>> -> memref<10240x128xf32, #tpu.memory_space<vmem_shared>>
          tpu.wait_indirect_dma semaphore(%arg15 : memref<!tpu.dma_semaphore, #tpu.memory_space<semaphore_mem>>) src(%arg9 : memref<128x128xf32, #tpu.memory_space<vmem>>) dst(%dma_wait3A_432 : memref<10240x128xf32, #tpu.memory_space<vmem_shared>>)
        } else {
        }
        %add3A_377 = arith.constant 1 : i32
        %add3A_378 = arith.addi %mul3A_371, %add3A_377 : i32
        %dma_start3A_379 = arith.constant 0 : i32
        %dma_start3A_380 = tpu.memref_slice %arg6[%add3A_378, %dma_start3A_379] : memref<16x128xi32, #tpu.memory_space<vmem>> -> memref<1x128xi32, #tpu.memory_space<vmem>>
        %dma_start3A_381 = tpu.memref_squeeze %dma_start3A_380 : memref<1x128xi32, #tpu.memory_space<vmem>> -> memref<128xi32, #tpu.memory_space<vmem>>
        %dma_start3A_382 = arith.constant 0 : i32
        %dma_start3A_383 = arith.constant 0 : i32
        %dma_start3A_384 = tpu.memref_slice %arg4[%dma_start3A_382, %dma_start3A_383] : memref<10000x128xf32, #tpu.memory_space<hbm>> -> memref<10000x128xf32, #tpu.memory_space<hbm>>
        tpu.enqueue_indirect_dma source(%dma_start3A_384 : memref<10000x128xf32, #tpu.memory_space<hbm>>) target(%arg9 : memref<128x128xf32, #tpu.memory_space<vmem>>) offsets(%dma_start3A_381 : memref<128xi32, #tpu.memory_space<vmem>>) semaphore(%arg13 : memref<!tpu.dma_semaphore, #tpu.memory_space<semaphore_mem>>)
        %dma_wait3A_385 = arith.constant 0 : i32
        %dma_wait3A_386 = tpu.memref_slice %arg6[%mul3A_371, %dma_wait3A_385] : memref<16x128xi32, #tpu.memory_space<vmem>> -> memref<1x128xi32, #tpu.memory_space<vmem>>
        %dma_wait3A_387 = tpu.memref_squeeze %dma_wait3A_386 : memref<1x128xi32, #tpu.memory_space<vmem>> -> memref<128xi32, #tpu.memory_space<vmem>>
        %dma_wait3A_388 = arith.constant 0 : i32
        %dma_wait3A_389 = arith.constant 0 : i32
        %dma_wait3A_390 = tpu.memref_slice %arg4[%dma_wait3A_388, %dma_wait3A_389] : memref<10000x128xf32, #tpu.memory_space<hbm>> -> memref<10000x128xf32, #tpu.memory_space<hbm>>
        tpu.wait_indirect_dma semaphore(%arg12 : memref<!tpu.dma_semaphore, #tpu.memory_space<semaphore_mem>>) src(%dma_wait3A_390 : memref<10000x128xf32, #tpu.memory_space<hbm>>) dst(%arg8 : memref<128x128xf32, #tpu.memory_space<vmem>>)
        %dma_start3A_391 = arith.constant 0 : i32
        %dma_start3A_392 = tpu.memref_slice %arg7[%mul3A_371, %dma_start3A_391] : memref<16x128xi32, #tpu.memory_space<vmem>> -> memref<1x128xi32, #tpu.memory_space<vmem>>
        %dma_start3A_393 = tpu.memref_squeeze %dma_start3A_392 : memref<1x128xi32, #tpu.memory_space<vmem>> -> memref<128xi32, #tpu.memory_space<vmem>>
        %dma_start3A_394 = arith.constant 0 : i32
        %dma_start3A_395 = arith.constant 0 : i32
        %dma_start3A_396 = tpu.memref_slice %arg11[%dma_start3A_394, %dma_start3A_395] : memref<10240x128xf32, #tpu.memory_space<vmem_shared>> -> memref<10240x128xf32, #tpu.memory_space<vmem_shared>>
        tpu.enqueue_indirect_dma source(%arg8 : memref<128x128xf32, #tpu.memory_space<vmem>>) target(%dma_start3A_396 : memref<10240x128xf32, #tpu.memory_space<vmem_shared>>) offsets(%dma_start3A_393 : memref<128xi32, #tpu.memory_space<vmem>>) semaphore(%arg14 : memref<!tpu.dma_semaphore, #tpu.memory_space<semaphore_mem>>) {add = true}
        %dma_wait3A_397 = arith.constant 0 : i32
        %dma_wait3A_398 = tpu.memref_slice %arg7[%mul3A_371, %dma_wait3A_397] : memref<16x128xi32, #tpu.memory_space<vmem>> -> memref<1x128xi32, #tpu.memory_space<vmem>>
        %dma_wait3A_399 = tpu.memref_squeeze %dma_wait3A_398 : memref<1x128xi32, #tpu.memory_space<vmem>> -> memref<128xi32, #tpu.memory_space<vmem>>
        %dma_wait3A_400 = arith.constant 0 : i32
        %dma_wait3A_401 = arith.constant 0 : i32
        %dma_wait3A_402 = tpu.memref_slice %arg11[%dma_wait3A_400, %dma_wait3A_401] : memref<10240x128xf32, #tpu.memory_space<vmem_shared>> -> memref<10240x128xf32, #tpu.memory_space<vmem_shared>>
        tpu.wait_indirect_dma semaphore(%arg14 : memref<!tpu.dma_semaphore, #tpu.memory_space<semaphore_mem>>) src(%arg8 : memref<128x128xf32, #tpu.memory_space<vmem>>) dst(%dma_wait3A_402 : memref<10240x128xf32, #tpu.memory_space<vmem_shared>>)
        %add3A_403 = arith.constant 2 : i32
        %add3A_404 = arith.addi %mul3A_371, %add3A_403 : i32
        %lt3A = arith.constant 16 : i32
        %lt3A_405 = arith.cmpi slt, %add3A_404, %lt3A : i32
        %convert_element_type3A_406 = arith.extui %lt3A_405 : i1 to i32
        %cond3A_407 = arith.constant 0 : i32
        %cond3A_408 = arith.cmpi ne, %convert_element_type3A_406, %cond3A_407 : i32
        scf.if %cond3A_408 {
          %add3A_426 = arith.constant 2 : i32
          %add3A_427 = arith.addi %mul3A_371, %add3A_426 : i32
          %dma_start3A_428 = arith.constant 0 : i32
          %dma_start3A_429 = tpu.memref_slice %arg6[%add3A_427, %dma_start3A_428] : memref<16x128xi32, #tpu.memory_space<vmem>> -> memref<1x128xi32, #tpu.memory_space<vmem>>
          %dma_start3A_430 = tpu.memref_squeeze %dma_start3A_429 : memref<1x128xi32, #tpu.memory_space<vmem>> -> memref<128xi32, #tpu.memory_space<vmem>>
          %dma_start3A_431 = arith.constant 0 : i32
          %dma_start3A_432 = arith.constant 0 : i32
          %dma_start3A_433 = tpu.memref_slice %arg4[%dma_start3A_431, %dma_start3A_432] : memref<10000x128xf32, #tpu.memory_space<hbm>> -> memref<10000x128xf32, #tpu.memory_space<hbm>>
          tpu.enqueue_indirect_dma source(%dma_start3A_433 : memref<10000x128xf32, #tpu.memory_space<hbm>>) target(%arg8 : memref<128x128xf32, #tpu.memory_space<vmem>>) offsets(%dma_start3A_430 : memref<128xi32, #tpu.memory_space<vmem>>) semaphore(%arg12 : memref<!tpu.dma_semaphore, #tpu.memory_space<semaphore_mem>>)
        } else {
        }
        %add3A_409 = arith.constant 1 : i32
        %add3A_410 = arith.addi %mul3A_371, %add3A_409 : i32
        %dma_wait3A_411 = arith.constant 0 : i32
        %dma_wait3A_412 = tpu.memref_slice %arg6[%add3A_410, %dma_wait3A_411] : memref<16x128xi32, #tpu.memory_space<vmem>> -> memref<1x128xi32, #tpu.memory_space<vmem>>
        %dma_wait3A_413 = tpu.memref_squeeze %dma_wait3A_412 : memref<1x128xi32, #tpu.memory_space<vmem>> -> memref<128xi32, #tpu.memory_space<vmem>>
        %dma_wait3A_414 = arith.constant 0 : i32
        %dma_wait3A_415 = arith.constant 0 : i32
        %dma_wait3A_416 = tpu.memref_slice %arg4[%dma_wait3A_414, %dma_wait3A_415] : memref<10000x128xf32, #tpu.memory_space<hbm>> -> memref<10000x128xf32, #tpu.memory_space<hbm>>
        tpu.wait_indirect_dma semaphore(%arg13 : memref<!tpu.dma_semaphore, #tpu.memory_space<semaphore_mem>>) src(%dma_wait3A_416 : memref<10000x128xf32, #tpu.memory_space<hbm>>) dst(%arg9 : memref<128x128xf32, #tpu.memory_space<vmem>>)
        %add3A_417 = arith.constant 1 : i32
        %add3A_418 = arith.addi %mul3A_371, %add3A_417 : i32
        %dma_start3A_419 = arith.constant 0 : i32
        %dma_start3A_420 = tpu.memref_slice %arg7[%add3A_418, %dma_start3A_419] : memref<16x128xi32, #tpu.memory_space<vmem>> -> memref<1x128xi32, #tpu.memory_space<vmem>>
        %dma_start3A_421 = tpu.memref_squeeze %dma_start3A_420 : memref<1x128xi32, #tpu.memory_space<vmem>> -> memref<128xi32, #tpu.memory_space<vmem>>
        %dma_start3A_422 = arith.constant 0 : i32
        %dma_start3A_423 = arith.constant 0 : i32
        %dma_start3A_424 = tpu.memref_slice %arg11[%dma_start3A_422, %dma_start3A_423] : memref<10240x128xf32, #tpu.memory_space<vmem_shared>> -> memref<10240x128xf32, #tpu.memory_space<vmem_shared>>
        tpu.enqueue_indirect_dma source(%arg9 : memref<128x128xf32, #tpu.memory_space<vmem>>) target(%dma_start3A_424 : memref<10240x128xf32, #tpu.memory_space<vmem_shared>>) offsets(%dma_start3A_421 : memref<128xi32, #tpu.memory_space<vmem>>) semaphore(%arg15 : memref<!tpu.dma_semaphore, #tpu.memory_space<semaphore_mem>>) {add = true}
        %scan3A_425 = arith.constant 0 : i32
        scf.yield %scan3A_425 : i32
      }
      %scan3A_359 = arith.constant 8 : i32
      %dma_wait3A_360 = arith.constant 15 : i32
      %dma_wait3A_361 = arith.constant 0 : i32
      %dma_wait3A_362 = tpu.memref_slice %arg7[%dma_wait3A_360, %dma_wait3A_361] : memref<16x128xi32, #tpu.memory_space<vmem>> -> memref<1x128xi32, #tpu.memory_space<vmem>>
      %dma_wait3A_363 = tpu.memref_squeeze %dma_wait3A_362 : memref<1x128xi32, #tpu.memory_space<vmem>> -> memref<128xi32, #tpu.memory_space<vmem>>
      %dma_wait3A_364 = arith.constant 0 : i32
      %dma_wait3A_365 = arith.constant 0 : i32
      %dma_wait3A_366 = tpu.memref_slice %arg11[%dma_wait3A_364, %dma_wait3A_365] : memref<10240x128xf32, #tpu.memory_space<vmem_shared>> -> memref<10240x128xf32, #tpu.memory_space<vmem_shared>>
      tpu.wait_indirect_dma semaphore(%arg15 : memref<!tpu.dma_semaphore, #tpu.memory_space<semaphore_mem>>) src(%arg9 : memref<128x128xf32, #tpu.memory_space<vmem>>) dst(%dma_wait3A_366 : memref<10240x128xf32, #tpu.memory_space<vmem_shared>>)
      %scan3A_367 = arith.constant 0 : i32
      scf.yield %scan3A_367 : i32
    }
    %scan3A_340 = arith.constant 5 : i32
    %barrier3A_341 = arith.constant 0 : index
    tpu.barrier barrier_id(%barrier3A_341)
    %mul3A_342 = arith.constant 640 : i32
    %mul3A_343 = arith.muli %arg1, %mul3A_342 : i32
    %mul3A_344 = arith.constant 640 : i32
    %mul3A_345 = arith.muli %arg1, %mul3A_344 : i32
    "tpu.region"() ({
      %run_scoped3A = tpu.sem_alloc : memref<!tpu.dma_semaphore, #tpu.memory_space<semaphore_mem>>
      %dma_start3A_346 = arith.constant 0 : i32
      %dma_start3A_347 = tpu.memref_slice %arg5[%arg0, %mul3A_345, %dma_start3A_346] : memref<2x10240x128xf32, #tpu.memory_space<hbm>> -> memref<1x640x128xf32, #tpu.memory_space<hbm>>
      %dma_start3A_348 = tpu.memref_squeeze %dma_start3A_347 : memref<1x640x128xf32, #tpu.memory_space<hbm>> -> memref<640x128xf32, #tpu.memory_space<hbm>>
      %dma_start3A_349 = arith.constant 0 : i32
      %dma_start3A_350 = tpu.memref_slice %arg11[%mul3A_343, %dma_start3A_349] : memref<10240x128xf32, #tpu.memory_space<vmem_shared>> -> memref<640x128xf32, #tpu.memory_space<vmem_shared>>
      tpu.enqueue_dma source(%dma_start3A_350 : memref<640x128xf32, #tpu.memory_space<vmem_shared>>) target(%dma_start3A_348 : memref<640x128xf32, #tpu.memory_space<hbm>>) target_semaphore(%run_scoped3A : memref<!tpu.dma_semaphore, #tpu.memory_space<semaphore_mem>>)
      %dma_wait3A_351 = arith.constant 0 : i32
      %dma_wait3A_352 = tpu.memref_slice %arg5[%arg0, %mul3A_345, %dma_wait3A_351] : memref<2x10240x128xf32, #tpu.memory_space<hbm>> -> memref<1x640x128xf32, #tpu.memory_space<hbm>>
      %dma_wait3A_353 = tpu.memref_squeeze %dma_wait3A_352 : memref<1x640x128xf32, #tpu.memory_space<hbm>> -> memref<640x128xf32, #tpu.memory_space<hbm>>
      %dma_wait3A_354 = arith.constant 0 : i32
      %dma_wait3A_355 = tpu.memref_slice %arg11[%mul3A_343, %dma_wait3A_354] : memref<10240x128xf32, #tpu.memory_space<vmem_shared>> -> memref<640x128xf32, #tpu.memory_space<vmem_shared>>
      tpu.wait_dma2 semaphore(%run_scoped3A : memref<!tpu.dma_semaphore, #tpu.memory_space<semaphore_mem>>) src(%dma_wait3A_355 : memref<640x128xf32, #tpu.memory_space<vmem_shared>>) dst(%dma_wait3A_353 : memref<640x128xf32, #tpu.memory_space<hbm>>)
      tpu.yield
    }) : () -> ()
    return
  }
}

#map = affine_map<(d0, d1) -> (0, 0)>
module attributes {stable_mosaic.version = 14 : i64} {
  func.func @k(%arg0: i32, %arg1: i32, %arg2: memref<2560x128xi32, #tpu.memory_space<hbm>>, %arg3: memref<2x10240xf32, #tpu.memory_space<hbm>>, %arg4: memref<80x128xi32, #tpu.memory_space<vmem>>, %arg5: memref<128xf32, #tpu.memory_space<vmem>>, %arg6: memref<640xf32, #tpu.memory_space<vmem>>, %arg7: memref<10240xf32, #tpu.memory_space<vmem_shared>>, %arg8: memref<!tpu.dma_semaphore, #tpu.memory_space<semaphore_mem>>) attributes {dimension_semantics = [#tpu.dimension_semantics<core_parallel>, #tpu.dimension_semantics<subcore_parallel>], iteration_bounds = array<i64: 2, 16>, scalar_prefetch = 0 : i64, scratch_operands = 5 : i64, tpu.core_type = #tpu.core_type<sc_vector_subcore>, window_params = [{transform_indices = #map}, {transform_indices = #map}]} {
    %scan3A = arith.constant 0 : i32
    %scan3A_0 = arith.constant 0 : i32
    %scan3A_1 = arith.constant 40 : i32
    %scan3A_2 = arith.addi %scan3A_0, %scan3A_1 : i32
    %scan3A_3 = arith.constant 1 : i32
    %scan3A_4 = scf.for %scan3A_37 = %scan3A_0 to %scan3A_2 step %scan3A_3 iter_args(%scan3A_38 = %scan3A) -> (i32)  : i32 {
      %broadcast_in_dim3A = arith.constant 0.000000e+00 : f32
      %broadcast_in_dim3A_39 = vector.broadcast %broadcast_in_dim3A : f32 to vector<16xf32>
      %mul3A_40 = arith.constant 16 : i32
      %mul3A_41 = arith.muli %scan3A_37, %mul3A_40 : i32
      %swap3A = arith.index_cast %mul3A_41 : i32 to index
      %swap3A_42 = tpu.vector_load %arg6[%swap3A] {strides = array<i32>} : memref<640xf32, #tpu.memory_space<vmem>>, vector<16xf32>,
      %swap3A_43 = vector.shape_cast %swap3A_42 : vector<16xf32> to vector<16xf32>
      %swap3A_44 = vector.shape_cast %broadcast_in_dim3A_39 : vector<16xf32> to vector<16xf32>
      tpu.vector_store %arg6[%swap3A], %swap3A_44 {strides = array<i32>} : memref<640xf32, #tpu.memory_space<vmem>>, vector<16xf32>,
      %scan3A_45 = arith.constant 0 : i32
      scf.yield %scan3A_45 : i32
    }
    %scan3A_5 = arith.constant 40 : i32
    %scan3A_6 = arith.constant 0 : i32
    %scan3A_7 = arith.constant 0 : i32
    %scan3A_8 = arith.constant 8 : i32
    %scan3A_9 = arith.addi %scan3A_7, %scan3A_8 : i32
    %scan3A_10 = arith.constant 1 : i32
    %scan3A_11 = scf.for %scan3A_37 = %scan3A_7 to %scan3A_9 step %scan3A_10 iter_args(%scan3A_38 = %scan3A_6) -> (i32)  : i32 {
      %broadcast_in_dim3A = arith.constant 1.000000e+00 : f32
      %broadcast_in_dim3A_39 = vector.broadcast %broadcast_in_dim3A : f32 to vector<16xf32>
      %mul3A_40 = arith.constant 16 : i32
      %mul3A_41 = arith.muli %scan3A_37, %mul3A_40 : i32
      %swap3A = arith.index_cast %mul3A_41 : i32 to index
      %swap3A_42 = tpu.vector_load %arg5[%swap3A] {strides = array<i32>} : memref<128xf32, #tpu.memory_space<vmem>>, vector<16xf32>,
      %swap3A_43 = vector.shape_cast %swap3A_42 : vector<16xf32> to vector<16xf32>
      %swap3A_44 = vector.shape_cast %broadcast_in_dim3A_39 : vector<16xf32> to vector<16xf32>
      tpu.vector_store %arg5[%swap3A], %swap3A_44 {strides = array<i32>} : memref<128xf32, #tpu.memory_space<vmem>>, vector<16xf32>,
      %scan3A_45 = arith.constant 0 : i32
      scf.yield %scan3A_45 : i32
    }
    %scan3A_12 = arith.constant 8 : i32
    %mul3A = arith.constant 640 : i32
    %mul3A_13 = arith.muli %arg1, %mul3A : i32
    "tpu.region"() ({
      %run_scoped3A = tpu.sem_alloc : memref<!tpu.dma_semaphore, #tpu.memory_space<semaphore_mem>>
      %dma_start3A = tpu.memref_slice %arg7[%mul3A_13] : memref<10240xf32, #tpu.memory_space<vmem_shared>> -> memref<640xf32, #tpu.memory_space<vmem_shared>>
      %dma_start3A_37 = tpu.memref_slice %arg7[%mul3A_13] : memref<10240xf32, #tpu.memory_space<vmem_shared>> -> memref<640xf32, #tpu.memory_space<vmem_shared>>
      tpu.enqueue_dma source(%arg6 : memref<640xf32, #tpu.memory_space<vmem>>) target(%dma_start3A_37 : memref<640xf32, #tpu.memory_space<vmem_shared>>) target_semaphore(%run_scoped3A : memref<!tpu.dma_semaphore, #tpu.memory_space<semaphore_mem>>)
      %dma_wait3A = tpu.memref_slice %arg7[%mul3A_13] : memref<10240xf32, #tpu.memory_space<vmem_shared>> -> memref<640xf32, #tpu.memory_space<vmem_shared>>
      %dma_wait3A_38 = tpu.memref_slice %arg7[%mul3A_13] : memref<10240xf32, #tpu.memory_space<vmem_shared>> -> memref<640xf32, #tpu.memory_space<vmem_shared>>
      tpu.wait_dma2 semaphore(%run_scoped3A : memref<!tpu.dma_semaphore, #tpu.memory_space<semaphore_mem>>) src(%arg6 : memref<640xf32, #tpu.memory_space<vmem>>) dst(%dma_wait3A_38 : memref<640xf32, #tpu.memory_space<vmem_shared>>)
      tpu.yield
    }) : () -> ()
    %barrier3A = arith.constant 0 : index
    tpu.barrier barrier_id(%barrier3A)
    %mul3A_14 = arith.constant 16 : i32
    %mul3A_15 = arith.muli %arg0, %mul3A_14 : i32
    %add3A = arith.addi %mul3A_15, %arg1 : i32
    %mul3A_16 = arith.constant 80 : i32
    %mul3A_17 = arith.muli %add3A, %mul3A_16 : i32
    "tpu.region"() ({
      %run_scoped3A = tpu.sem_alloc : memref<!tpu.dma_semaphore, #tpu.memory_space<semaphore_mem>>
      %dma_start3A = arith.constant 0 : i32
      %dma_start3A_37 = tpu.memref_slice %arg2[%mul3A_17, %dma_start3A] : memref<2560x128xi32, #tpu.memory_space<hbm>> -> memref<80x128xi32, #tpu.memory_space<hbm>>
      %dma_start3A_38 = arith.constant 0 : i32
      %dma_start3A_39 = tpu.memref_slice %arg2[%mul3A_17, %dma_start3A_38] : memref<2560x128xi32, #tpu.memory_space<hbm>> -> memref<80x128xi32, #tpu.memory_space<hbm>>
      tpu.enqueue_dma source(%dma_start3A_39 : memref<80x128xi32, #tpu.memory_space<hbm>>) target(%arg4 : memref<80x128xi32, #tpu.memory_space<vmem>>) target_semaphore(%run_scoped3A : memref<!tpu.dma_semaphore, #tpu.memory_space<semaphore_mem>>)
      %dma_wait3A = arith.constant 0 : i32
      %dma_wait3A_40 = tpu.memref_slice %arg2[%mul3A_17, %dma_wait3A] : memref<2560x128xi32, #tpu.memory_space<hbm>> -> memref<80x128xi32, #tpu.memory_space<hbm>>
      %dma_wait3A_41 = arith.constant 0 : i32
      %dma_wait3A_42 = tpu.memref_slice %arg2[%mul3A_17, %dma_wait3A_41] : memref<2560x128xi32, #tpu.memory_space<hbm>> -> memref<80x128xi32, #tpu.memory_space<hbm>>
      tpu.wait_dma2 semaphore(%run_scoped3A : memref<!tpu.dma_semaphore, #tpu.memory_space<semaphore_mem>>) src(%dma_wait3A_42 : memref<80x128xi32, #tpu.memory_space<hbm>>) dst(%arg4 : memref<80x128xi32, #tpu.memory_space<vmem>>)
      tpu.yield
    }) : () -> ()
    %scan3A_18 = arith.constant 0 : i32
    %scan3A_19 = arith.constant 0 : i32
    %scan3A_20 = arith.constant 80 : i32
    %scan3A_21 = arith.addi %scan3A_19, %scan3A_20 : i32
    %scan3A_22 = arith.constant 1 : i32
    %scan3A_23 = scf.for %scan3A_37 = %scan3A_19 to %scan3A_21 step %scan3A_22 iter_args(%scan3A_38 = %scan3A_18) -> (i32)  : i32 {
      %dma_start3A = arith.constant 0 : i32
      %dma_start3A_39 = tpu.memref_slice %arg4[%scan3A_37, %dma_start3A] : memref<80x128xi32, #tpu.memory_space<vmem>> -> memref<1x128xi32, #tpu.memory_space<vmem>>
      %dma_start3A_40 = tpu.memref_squeeze %dma_start3A_39 : memref<1x128xi32, #tpu.memory_space<vmem>> -> memref<128xi32, #tpu.memory_space<vmem>>
      %dma_start3A_41 = arith.constant 0 : i32
      %dma_start3A_42 = tpu.memref_slice %arg7[%dma_start3A_41] : memref<10240xf32, #tpu.memory_space<vmem_shared>> -> memref<10240xf32, #tpu.memory_space<vmem_shared>>
      tpu.enqueue_indirect_dma source(%arg5 : memref<128xf32, #tpu.memory_space<vmem>>) target(%dma_start3A_42 : memref<10240xf32, #tpu.memory_space<vmem_shared>>) offsets(%dma_start3A_40 : memref<128xi32, #tpu.memory_space<vmem>>) semaphore(%arg8 : memref<!tpu.dma_semaphore, #tpu.memory_space<semaphore_mem>>) {add = true}
      %scan3A_43 = arith.constant 0 : i32
      scf.yield %scan3A_43 : i32
    }
    %scan3A_24 = arith.constant 80 : i32
    %scan3A_25 = arith.constant 0 : i32
    %scan3A_26 = arith.constant 0 : i32
    %scan3A_27 = arith.constant 80 : i32
    %scan3A_28 = arith.addi %scan3A_26, %scan3A_27 : i32
    %scan3A_29 = arith.constant 1 : i32
    %scan3A_30 = scf.for %scan3A_37 = %scan3A_26 to %scan3A_28 step %scan3A_29 iter_args(%scan3A_38 = %scan3A_25) -> (i32)  : i32 {
      %dma_wait3A = arith.constant 0 : i32
      %dma_wait3A_39 = tpu.memref_slice %arg4[%scan3A_37, %dma_wait3A] : memref<80x128xi32, #tpu.memory_space<vmem>> -> memref<1x128xi32, #tpu.memory_space<vmem>>
      %dma_wait3A_40 = tpu.memref_squeeze %dma_wait3A_39 : memref<1x128xi32, #tpu.memory_space<vmem>> -> memref<128xi32, #tpu.memory_space<vmem>>
      %dma_wait3A_41 = arith.constant 0 : i32
      %dma_wait3A_42 = tpu.memref_slice %arg7[%dma_wait3A_41] : memref<10240xf32, #tpu.memory_space<vmem_shared>> -> memref<10240xf32, #tpu.memory_space<vmem_shared>>
      tpu.wait_indirect_dma semaphore(%arg8 : memref<!tpu.dma_semaphore, #tpu.memory_space<semaphore_mem>>) src(%arg5 : memref<128xf32, #tpu.memory_space<vmem>>) dst(%dma_wait3A_42 : memref<10240xf32, #tpu.memory_space<vmem_shared>>)
      %scan3A_43 = arith.constant 0 : i32
      scf.yield %scan3A_43 : i32
    }
    %scan3A_31 = arith.constant 80 : i32
    %barrier3A_32 = arith.constant 0 : index
    tpu.barrier barrier_id(%barrier3A_32)
    %mul3A_33 = arith.constant 640 : i32
    %mul3A_34 = arith.muli %arg1, %mul3A_33 : i32
    %mul3A_35 = arith.constant 640 : i32
    %mul3A_36 = arith.muli %arg1, %mul3A_35 : i32
    "tpu.region"() ({
      %run_scoped3A = tpu.sem_alloc : memref<!tpu.dma_semaphore, #tpu.memory_space<semaphore_mem>>
      %dma_start3A = tpu.memref_slice %arg3[%arg0, %mul3A_36] : memref<2x10240xf32, #tpu.memory_space<hbm>> -> memref<1x640xf32, #tpu.memory_space<hbm>>
      %dma_start3A_37 = tpu.memref_squeeze %dma_start3A : memref<1x640xf32, #tpu.memory_space<hbm>> -> memref<640xf32, #tpu.memory_space<hbm>>
      %dma_start3A_38 = tpu.memref_slice %arg7[%mul3A_34] : memref<10240xf32, #tpu.memory_space<vmem_shared>> -> memref<640xf32, #tpu.memory_space<vmem_shared>>
      tpu.enqueue_dma source(%dma_start3A_38 : memref<640xf32, #tpu.memory_space<vmem_shared>>) target(%dma_start3A_37 : memref<640xf32, #tpu.memory_space<hbm>>) target_semaphore(%run_scoped3A : memref<!tpu.dma_semaphore, #tpu.memory_space<semaphore_mem>>)
      %dma_wait3A = tpu.memref_slice %arg3[%arg0, %mul3A_36] : memref<2x10240xf32, #tpu.memory_space<hbm>> -> memref<1x640xf32, #tpu.memory_space<hbm>>
      %dma_wait3A_39 = tpu.memref_squeeze %dma_wait3A : memref<1x640xf32, #tpu.memory_space<hbm>> -> memref<640xf32, #tpu.memory_space<hbm>>
      %dma_wait3A_40 = tpu.memref_slice %arg7[%mul3A_34] : memref<10240xf32, #tpu.memory_space<vmem_shared>> -> memref<640xf32, #tpu.memory_space<vmem_shared>>
      tpu.wait_dma2 semaphore(%run_scoped3A : memref<!tpu.dma_semaphore, #tpu.memory_space<semaphore_mem>>) src(%dma_wait3A_40 : memref<640xf32, #tpu.memory_space<vmem_shared>>) dst(%dma_wait3A_39 : memref<640xf32, #tpu.memory_space<hbm>>)
      tpu.yield
    }) : () -> ()
    return
  }
}

module attributes {stable_mosaic.version = 14 : i64} {
  func.func @body(%arg0: memref<2x320000xi32, #tpu.memory_space<vmem>>, %arg1: memref<2560x128xi32, #tpu.memory_space<vmem>>, %arg2: memref<2560x128xi32, #tpu.memory_space<vmem>>) attributes {dimension_semantics = [], scalar_prefetch = 0 : i64, scratch_operands = 0 : i64, tpu.core_type = #tpu.core_type<tc>} {
    %get3A = arith.constant 0 : index
    %get3A_0 = arith.constant 0 : index
    %get3A_1 = vector.load %arg0[%get3A, %get3A_0] : memref<2x320000xi32, #tpu.memory_space<vmem>>, vector<1x320000xi32>
    %reshape3A = vector.shape_cast %get3A_1 : vector<1x320000xi32> to vector<2500x128xi32>
    %swap3A = arith.constant 0 : index
    %swap3A_2 = arith.constant 0 : index
    %swap3A_3 = vector.load %arg1[%swap3A, %swap3A_2] : memref<2560x128xi32, #tpu.memory_space<vmem>>, vector<2500x128xi32>
    tpu.vector_store %arg1[%swap3A, %swap3A_2], %reshape3A {strides = array<i32>} : memref<2560x128xi32, #tpu.memory_space<vmem>>, vector<2500x128xi32>,
    %get3A_4 = arith.constant 1 : index
    %get3A_5 = arith.constant 0 : index
    %get3A_6 = vector.load %arg0[%get3A_4, %get3A_5] : memref<2x320000xi32, #tpu.memory_space<vmem>>, vector<1x320000xi32>
    %reshape3A_7 = vector.shape_cast %get3A_6 : vector<1x320000xi32> to vector<2500x128xi32>
    %swap3A_8 = arith.constant 0 : index
    %swap3A_9 = arith.constant 0 : index
    %swap3A_10 = vector.load %arg2[%swap3A_8, %swap3A_9] : memref<2560x128xi32, #tpu.memory_space<vmem>>, vector<2500x128xi32>
    tpu.vector_store %arg2[%swap3A_8, %swap3A_9], %reshape3A_7 {strides = array<i32>} : memref<2560x128xi32, #tpu.memory_space<vmem>>, vector<2500x128xi32>,
    %iota3A = tpu.iota {dimensions = array<i32: 0>} : vector<60x128xi32>
    %mul3A = arith.constant 128 : i32
    %mul3A_11 = vector.broadcast %mul3A : i32 to vector<60x128xi32>
    %mul3A_12 = arith.muli %iota3A, %mul3A_11 : vector<60x128xi32>
    %iota3A_13 = tpu.iota {dimensions = array<i32: 1>} : vector<60x128xi32>
    %add3A = arith.addi %mul3A_12, %iota3A_13 : vector<60x128xi32>
    %jit3A = arith.constant 10000 : i32
    %eq3A = arith.constant 0 : i32
    %eq3A_14 = arith.cmpi eq, %jit3A, %eq3A : i32
    %jit3A_15 = arith.constant 1 : i32
    %select_n3A = arith.select %eq3A_14, %jit3A_15, %jit3A : i32
    %rem3A = vector.broadcast %select_n3A : i32 to vector<60x128xi32>
    %rem3A_16 = arith.remsi %add3A, %rem3A : vector<60x128xi32>
    %ne3A = arith.constant 0 : i32
    %ne3A_17 = vector.broadcast %ne3A : i32 to vector<60x128xi32>
    %ne3A_18 = arith.cmpi ne, %rem3A_16, %ne3A_17 : vector<60x128xi32>
    %lt3A = arith.constant 0 : i32
    %lt3A_19 = vector.broadcast %lt3A : i32 to vector<60x128xi32>
    %lt3A_20 = arith.cmpi slt, %rem3A_16, %lt3A_19 : vector<60x128xi32>
    %lt3A_21 = arith.constant 0 : i32
    %lt3A_22 = arith.cmpi slt, %select_n3A, %lt3A_21 : i32
    %ne3A_23 = vector.broadcast %lt3A_22 : i1 to vector<60x128xi1>
    %ne3A_24 = vector.broadcast %ne3A_23 : vector<60x128xi1> to vector<60x128xi1>
    %ne3A_25 = arith.xori %lt3A_20, %ne3A_24 : vector<60x128xi1>
    %and3A = arith.andi %ne3A_25, %ne3A_18 : vector<60x128xi1>
    %add3A_26 = vector.broadcast %select_n3A : i32 to vector<60x128xi32>
    %add3A_27 = arith.addi %rem3A_16, %add3A_26 : vector<60x128xi32>
    %select_n3A_28 = arith.select %and3A, %add3A_27, %rem3A_16 : vector<60x128xi1>, vector<60x128xi32>
    %swap3A_29 = arith.constant 2500 : index
    %swap3A_30 = arith.constant 0 : index
    %swap3A_31 = vector.load %arg1[%swap3A_29, %swap3A_30] : memref<2560x128xi32, #tpu.memory_space<vmem>>, vector<60x128xi32>
    tpu.vector_store %arg1[%swap3A_29, %swap3A_30], %select_n3A_28 {strides = array<i32>} : memref<2560x128xi32, #tpu.memory_space<vmem>>, vector<60x128xi32>,
    %jit3A_32 = arith.constant 240 : i32
    %eq3A_33 = arith.constant 0 : i32
    %eq3A_34 = arith.cmpi eq, %jit3A_32, %eq3A_33 : i32
    %jit3A_35 = arith.constant 1 : i32
    %select_n3A_36 = arith.select %eq3A_34, %jit3A_35, %jit3A_32 : i32
    %rem3A_37 = vector.broadcast %select_n3A_36 : i32 to vector<60x128xi32>
    %rem3A_38 = arith.remsi %add3A, %rem3A_37 : vector<60x128xi32>
    %ne3A_39 = arith.constant 0 : i32
    %ne3A_40 = vector.broadcast %ne3A_39 : i32 to vector<60x128xi32>
    %ne3A_41 = arith.cmpi ne, %rem3A_38, %ne3A_40 : vector<60x128xi32>
    %lt3A_42 = arith.constant 0 : i32
    %lt3A_43 = vector.broadcast %lt3A_42 : i32 to vector<60x128xi32>
    %lt3A_44 = arith.cmpi slt, %rem3A_38, %lt3A_43 : vector<60x128xi32>
    %lt3A_45 = arith.constant 0 : i32
    %lt3A_46 = arith.cmpi slt, %select_n3A_36, %lt3A_45 : i32
    %ne3A_47 = vector.broadcast %lt3A_46 : i1 to vector<60x128xi1>
    %ne3A_48 = vector.broadcast %ne3A_47 : vector<60x128xi1> to vector<60x128xi1>
    %ne3A_49 = arith.xori %lt3A_44, %ne3A_48 : vector<60x128xi1>
    %and3A_50 = arith.andi %ne3A_49, %ne3A_41 : vector<60x128xi1>
    %add3A_51 = vector.broadcast %select_n3A_36 : i32 to vector<60x128xi32>
    %add3A_52 = arith.addi %rem3A_38, %add3A_51 : vector<60x128xi32>
    %select_n3A_53 = arith.select %and3A_50, %add3A_52, %rem3A_38 : vector<60x128xi1>, vector<60x128xi32>
    %add3A_54 = arith.constant 10000 : i32
    %add3A_55 = vector.broadcast %add3A_54 : i32 to vector<60x128xi32>
    %add3A_56 = arith.addi %add3A_55, %select_n3A_53 : vector<60x128xi32>
    %swap3A_57 = arith.constant 2500 : index
    %swap3A_58 = arith.constant 0 : index
    %swap3A_59 = vector.load %arg2[%swap3A_57, %swap3A_58] : memref<2560x128xi32, #tpu.memory_space<vmem>>, vector<60x128xi32>
    tpu.vector_store %arg2[%swap3A_57, %swap3A_58], %add3A_56 {strides = array<i32>} : memref<2560x128xi32, #tpu.memory_space<vmem>>, vector<60x128xi32>,
    return
  }
}

module attributes {stable_mosaic.version = 14 : i64} {
  func.func @body(%arg0: memref<2x10240x128xf32, #tpu.memory_space<vmem>>, %arg1: memref<10000x128xf32, #tpu.memory_space<vmem>>, %arg2: memref<10000x1xf32, #tpu.memory_space<vmem>>, %arg3: memref<1x128xf32, #tpu.memory_space<vmem>>, %arg4: memref<1x128xf32, #tpu.memory_space<vmem>>, %arg5: memref<1x128xf32, #tpu.memory_space<vmem>>, %arg6: memref<10000x128xf32, #tpu.memory_space<vmem>>) attributes {dimension_semantics = [], scalar_prefetch = 0 : i64, scratch_operands = 0 : i64, tpu.core_type = #tpu.core_type<tc>} {
    %get3A = arith.constant 0 : index
    %get3A_0 = arith.constant 0 : index
    %get3A_1 = arith.constant 0 : index
    %get3A_2 = vector.load %arg0[%get3A, %get3A_0, %get3A_1] : memref<2x10240x128xf32, #tpu.memory_space<vmem>>, vector<1x10000x128xf32>
    %get3A_3 = vector.shape_cast %get3A_2 : vector<1x10000x128xf32> to vector<10000x128xf32>
    %get3A_4 = arith.constant 1 : index
    %get3A_5 = arith.constant 0 : index
    %get3A_6 = arith.constant 0 : index
    %get3A_7 = vector.load %arg0[%get3A_4, %get3A_5, %get3A_6] : memref<2x10240x128xf32, #tpu.memory_space<vmem>>, vector<1x10000x128xf32>
    %get3A_8 = vector.shape_cast %get3A_7 : vector<1x10000x128xf32> to vector<10000x128xf32>
    %add3A = arith.addf %get3A_3, %get3A_8 : vector<10000x128xf32>
    %get3A_9 = arith.constant 0 : index
    %get3A_10 = arith.constant 0 : index
    %get3A_11 = vector.load %arg1[%get3A_9, %get3A_10] : memref<10000x128xf32, #tpu.memory_space<vmem>>, vector<10000x128xf32>
    %add3A_12 = arith.addf %add3A, %get3A_11 : vector<10000x128xf32>
    %get3A_13 = arith.constant 0 : index
    %get3A_14 = arith.constant 0 : index
    %get3A_15 = vector.load %arg2[%get3A_13, %get3A_14] : memref<10000x1xf32, #tpu.memory_space<vmem>>, vector<10000x1xf32>
    %mul3A = vector.broadcast %get3A_15 : vector<10000x1xf32> to vector<10000x128xf32>
    %mul3A_16 = arith.mulf %add3A_12, %mul3A : vector<10000x128xf32>
    %get3A_17 = arith.constant 0 : index
    %get3A_18 = arith.constant 0 : index
    %get3A_19 = vector.load %arg3[%get3A_17, %get3A_18] : memref<1x128xf32, #tpu.memory_space<vmem>>, vector<1x128xf32>
    %add3A_20 = vector.broadcast %get3A_19 : vector<1x128xf32> to vector<10000x128xf32>
    %add3A_21 = arith.addf %mul3A_16, %add3A_20 : vector<10000x128xf32>
    %reduce_sum3A = arith.constant dense<0.000000e+00> : vector<128xf32>
    %reduce_sum3A_22 = vector.multi_reduction <add>, %add3A_21, %reduce_sum3A [0] : vector<10000x128xf32> to vector<128xf32>
    %broadcast_in_dim3A = vector.shape_cast %reduce_sum3A_22 : vector<128xf32> to vector<1x128xf32>
    %div3A = arith.constant 1.000000e+04 : f32
    %div3A_23 = vector.broadcast %div3A : f32 to vector<1x128xf32>
    %div3A_24 = arith.divf %broadcast_in_dim3A, %div3A_23 : vector<1x128xf32>
    %mul3A_25 = arith.mulf %add3A_21, %add3A_21 : vector<10000x128xf32>
    %reduce_sum3A_26 = arith.constant dense<0.000000e+00> : vector<128xf32>
    %reduce_sum3A_27 = vector.multi_reduction <add>, %mul3A_25, %reduce_sum3A_26 [0] : vector<10000x128xf32> to vector<128xf32>
    %broadcast_in_dim3A_28 = vector.shape_cast %reduce_sum3A_27 : vector<128xf32> to vector<1x128xf32>
    %div3A_29 = arith.constant 1.000000e+04 : f32
    %div3A_30 = vector.broadcast %div3A_29 : f32 to vector<1x128xf32>
    %div3A_31 = arith.divf %broadcast_in_dim3A_28, %div3A_30 : vector<1x128xf32>
    %mul3A_32 = arith.mulf %div3A_24, %div3A_24 : vector<1x128xf32>
    %sub3A = arith.subf %div3A_31, %mul3A_32 : vector<1x128xf32>
    %add3A_33 = arith.constant 9.99999974E-6 : f32
    %add3A_34 = vector.broadcast %add3A_33 : f32 to vector<1x128xf32>
    %add3A_35 = arith.addf %sub3A, %add3A_34 : vector<1x128xf32>
    %rsqrt3A = math.rsqrt %add3A_35 : vector<1x128xf32>
    %sub3A_36 = vector.broadcast %div3A_24 : vector<1x128xf32> to vector<10000x128xf32>
    %sub3A_37 = arith.subf %add3A_21, %sub3A_36 : vector<10000x128xf32>
    %mul3A_38 = vector.broadcast %rsqrt3A : vector<1x128xf32> to vector<10000x128xf32>
    %mul3A_39 = arith.mulf %sub3A_37, %mul3A_38 : vector<10000x128xf32>
    %get3A_40 = arith.constant 0 : index
    %get3A_41 = arith.constant 0 : index
    %get3A_42 = vector.load %arg4[%get3A_40, %get3A_41] : memref<1x128xf32, #tpu.memory_space<vmem>>, vector<1x128xf32>
    %mul3A_43 = vector.broadcast %get3A_42 : vector<1x128xf32> to vector<10000x128xf32>
    %mul3A_44 = arith.mulf %mul3A_39, %mul3A_43 : vector<10000x128xf32>
    %get3A_45 = arith.constant 0 : index
    %get3A_46 = arith.constant 0 : index
    %get3A_47 = vector.load %arg5[%get3A_45, %get3A_46] : memref<1x128xf32, #tpu.memory_space<vmem>>, vector<1x128xf32>
    %add3A_48 = vector.broadcast %get3A_47 : vector<1x128xf32> to vector<10000x128xf32>
    %add3A_49 = arith.addf %mul3A_44, %add3A_48 : vector<10000x128xf32>
    %max3A = arith.constant 0.000000e+00 : f32
    %max3A_50 = vector.broadcast %max3A : f32 to vector<10000x128xf32>
    %max3A_51 = arith.maximumf %add3A_49, %max3A_50 : vector<10000x128xf32>
    %swap3A = arith.constant 0 : index
    %swap3A_52 = arith.constant 0 : index
    %swap3A_53 = vector.load %arg6[%swap3A, %swap3A_52] : memref<10000x128xf32, #tpu.memory_space<vmem>>, vector<10000x128xf32>
    tpu.vector_store %arg6[%swap3A, %swap3A_52], %max3A_51 {strides = array<i32>} : memref<10000x128xf32, #tpu.memory_space<vmem>>, vector<10000x128xf32>,
    return
  }
}

module attributes {stable_mosaic.version = 14 : i64} {
  func.func @body(%arg0: memref<10000x128xf32, #tpu.memory_space<vmem>>, %arg1: memref<128x128xf32, #tpu.memory_space<vmem>>, %arg2: memref<2x10240xf32, #tpu.memory_space<vmem>>, %arg3: memref<10000x128xf32, #tpu.memory_space<vmem>>, %arg4: memref<10000x1xf32, #tpu.memory_space<vmem>>) attributes {dimension_semantics = [], scalar_prefetch = 0 : i64, scratch_operands = 0 : i64, tpu.core_type = #tpu.core_type<tc>} {
    %get3A = arith.constant 0 : index
    %get3A_0 = arith.constant 0 : index
    %get3A_1 = vector.load %arg0[%get3A, %get3A_0] : memref<10000x128xf32, #tpu.memory_space<vmem>>, vector<10000x128xf32>
    %get3A_2 = arith.constant 0 : index
    %get3A_3 = arith.constant 0 : index
    %get3A_4 = vector.load %arg1[%get3A_2, %get3A_3] : memref<128x128xf32, #tpu.memory_space<vmem>>, vector<128x128xf32>
    %dot_general3A = arith.constant dense<0.000000e+00> : vector<10000x128xf32>
    %dot_general3A_5 = tpu.matmul %get3A_1, %get3A_4, %dot_general3A {dimension_numbers = #tpu.dot_dimension_numbers<[1], [0], [0], [1], [0, 0, 1, 1], [], []>, transpose_lhs_hint = false} : vector<10000x128xf32>, vector<128x128xf32>, vector<10000x128xf32> -> vector<10000x128xf32>
    %get3A_6 = arith.constant 0 : index
    %get3A_7 = arith.constant 0 : index
    %get3A_8 = vector.load %arg2[%get3A_6, %get3A_7] : memref<2x10240xf32, #tpu.memory_space<vmem>>, vector<1x10240xf32>
    %get3A_9 = arith.constant 1 : index
    %get3A_10 = arith.constant 0 : index
    %get3A_11 = vector.load %arg2[%get3A_9, %get3A_10] : memref<2x10240xf32, #tpu.memory_space<vmem>>, vector<1x10240xf32>
    %add3A = arith.addf %get3A_8, %get3A_11 : vector<1x10240xf32>
    %add3A_12 = arith.constant 1.000000e+00 : f32
    %add3A_13 = vector.broadcast %add3A_12 : f32 to vector<1x10240xf32>
    %add3A_14 = arith.addf %add3A, %add3A_13 : vector<1x10240xf32>
    %rsqrt3A = math.rsqrt %add3A_14 : vector<1x10240xf32>
    %transpose3A = tpu.transpose %rsqrt3A, [1, 0] : vector<1x10240xf32> -> vector<10240x1xf32>
    %slice3A = vector.extract_strided_slice %transpose3A {offsets = [0, 0], sizes = [10000, 1], strides = [1, 1]} : vector<10240x1xf32> to vector<10000x1xf32>
    %mul3A = vector.broadcast %slice3A : vector<10000x1xf32> to vector<10000x128xf32>
    %mul3A_15 = arith.mulf %dot_general3A_5, %mul3A : vector<10000x128xf32>
    %swap3A = arith.constant 0 : index
    %swap3A_16 = arith.constant 0 : index
    %swap3A_17 = vector.load %arg3[%swap3A, %swap3A_16] : memref<10000x128xf32, #tpu.memory_space<vmem>>, vector<10000x128xf32>
    tpu.vector_store %arg3[%swap3A, %swap3A_16], %mul3A_15 {strides = array<i32>} : memref<10000x128xf32, #tpu.memory_space<vmem>>, vector<10000x128xf32>,
    %swap3A_18 = arith.constant 0 : index
    %swap3A_19 = arith.constant 0 : index
    %swap3A_20 = vector.load %arg4[%swap3A_18, %swap3A_19] : memref<10000x1xf32, #tpu.memory_space<vmem>>, vector<10000x1xf32>
    tpu.vector_store %arg4[%swap3A_18, %swap3A_19], %slice3A {strides = array<i32>} : memref<10000x1xf32, #tpu.memory_space<vmem>>, vector<10000x1xf32>,
    return
  }
}

</mosaic_0001>

<sc_bundles>
// kernel: kernel.10.cloned.1.call-start
scs
__scs_entry_jumppad:
0x0: {  	(pc) =	sbr.rel $0x88, $3  }
0x1: {  	(tag) =	ssettag $0x0;
	lr =	simm.s32 $0x1  }
0x2: {  	[smem:$0x3F9B] =	sst lr;
	_ =	strace $0xD0000000  }
0x3: {  	_ = 	snop  }
0x4: {  	_ = 	snop  }
0x5: {  	_ = 	snop  }
0x6: {  	_ = 	snop  }
0x7: {  	_ = 	snop  }
__scs_overlays_trampoline_lowered:
0x8: {  	[smem:$0x3FAA] =	sst s0  }
0x9: {  	[smem:$0x3FAB] =	sst s1  }
0xa: {  	[smem:$0x3FAC] =	sst s2  }
0xb: {  	[smem:$0x3FAD] =	sst s3  }
0xc: {  	[smem:$0x3FAE] =	sst s4  }
0xd: {  	[smem:$0x3FAF] =	sst s5  }
0xe: {  	[smem:$0x3FB0] =	sst s6  }
0xf: {  	[smem:$0x3FB1] =	sst s7  }
0x10: {  	[smem:$0x3FB2] =	sst s8  }
0x11: {  	[smem:$0x3FB3] =	sst s9;
	s0 =	simm.s32 @!p0 $0x0  }
0x12: {  	s1 =	sld [smem:$0x3F99];
	s0 =	simm.s32 @p0 $0x1  }
0x13: {  	[smem:$0x3FB4] =	sst s0;
	s0 =	simm.s32 @!p1 $0x0  }
0x14: {  	s2 =	sld [smem:$0x3F98];
	s0 =	simm.s32 @p1 $0x1  }
0x15: {  	[smem:$0x3FB5] =	sst s0;
	s0 =	simm.s32 @!p2 $0x0  }
0x16: {  	s3 =	sld [smem:$0x3FDB];
	s0 =	simm.s32 @p2 $0x1  }
0x17: {  	s4 =	simm.s32 $0x1BF5;
	[smem:$0x3FB7] =	sst s0  }
0x18: {  	s0 =	sld [smem:$0x3F9A];
	_ =	swait.ge [sflag:s4], $0x0  }
0x19: {  	s7 =	sld [smem:$0x3F9B]  }
0x1a: {  	s8 =	sadd.s32 $0xFFFFE003, lr  }
0x1b: {  	s9 =	sadd.s32 $0xFFFFFEF7, lr;
	s5 =	simm.s32 $0xFFFFFFFF;
	p2 =	slt.u32 s8, $0xFFFFF086  }
0x1c: {  	p1 =	slt.u32 s9, $0xF7A;
	s5 =	simm.s32 @!p2 $0x0  }
0x1d: {  	s5 =	simm.s32 @p1 $0x1;
	p0 =	seq.s32 s7, s2  }
0x1e: {  	s7 =	smul.u32 @!p0 $0xF7A, s2;
	p2 =	seq.s32 @!p0 s5, $0x0  }
0x1f: {  	s9 =	smul.u32 $0xF7A, s1;
	s8 =	simm.s32 @!p0 $0x1BF5;
	p2 =	por !p2, p0  }
0x20: {  	[sflag:s8] =	ssyncset.s32 @!p0 $0xFFFFF086;
	s6 =	sadd.s32 @!p0 s3, s7;
	s7 =	simm.s32 @!p0 $0x108  }
0x21: {  	s3 =	sadd.s32 s3, s9;
	s6 =	sadd.s32 @!p0 $0x88, s6;
	s7 =	simm.s32 @p2 $0x1082  }
0x22: {  	[simem:s7], [sflag:s8] =	dma.local @!p0 [hbm:s6], $0xF7A  }
0x23: {  	s9 =	sor.u32 $0xD0000000, s2;
	s6 =	simm.s32 $0x108;
	_ =	swait.ge @!p0 [sflag:s8], $0x0  }
0x24: {  	s3 =	sadd.s32 $0x88, s3;
	s6 =	simm.s32 @!p1 $0x1082;
	[sflag:s4] =	ssyncset.s32 $0xFFFFF086  }
0x25: {  	[simem:s6], [sflag:s4] =	dma.local [hbm:s3], $0xF7A  }
0x26: {  	[smem:$0x3F9B] =	sst s1;
	(tag) =	ssettag s2;
	_ =	strace s9  }
0x27: {  	s1 =	sld [smem:$0x3FAB]  }
0x28: {  	s2 =	sld [smem:$0x3FAC]  }
0x29: {  	s4 =	sld [smem:$0x3FAE]  }
0x2a: {  	p0 =	seq.s32 s5, $0x0;
	s5 =	sld [smem:$0x3FAF]  }
0x2b: {  	s6 =	sld [smem:$0x3FB0]  }
0x2c: {  	s7 =	sld [smem:$0x3FB1]  }
0x2d: {  	s3 =	simm.s32 $0x108;
	s8 =	sld [smem:$0x3FB2]  }
0x2e: {  	s3 =	simm.s32 @!p0 $0x1082;
	s9 =	sld [smem:$0x3FB3]  }
0x2f: {  	lr =	sadd.s32 s0, s3;
	s0 =	sld [smem:$0x3FAA]  }
0x30: {  	s3 =	sld [smem:$0x3FAD]  }
0x31: {  	[smem:$0x3FB6] =	sst s10  }
0x32: {  	s10 =	sld [smem:$0x3FB4];
	_ =	sdelay $0x3  }
0x33: {  	p0 =	seq.s32 s10, $0x1;
	s10 =	sld [smem:$0x3FB6];
	_ =	sdelay $0x3  }
0x34: {  	[smem:$0x3FB6] =	sst s10  }
0x35: {  	s10 =	sld [smem:$0x3FB5];
	_ =	sdelay $0x3  }
0x36: {  	p1 =	seq.s32 s10, $0x1;
	s10 =	sld [smem:$0x3FB6];
	_ =	sdelay $0x3  }
0x37: {  	[smem:$0x3FB6] =	sst s10  }
0x38: {  	s10 =	sld [smem:$0x3FB7]  }
0x39: {  	_ = 	snop;
	(pc) =	sbr.ind lr, $3  }
0x3a: {  	_ = 	snop  }
0x3b: {  	_ = 	snop  }
0x3c: {  	p2 =	seq.s32 s10, $0x1;
	s10 =	sld [smem:$0x3FB6]  }
0x3d: {  	_ =	shalt  }
0x3e: {  	_ =	shalt  }
0x3f: {  	_ =	shalt  }
0x40: {  	_ =	shalt  }
0x41: {  	_ =	shalt  }
0x42: {  	_ =	shalt  }
0x43: {  	_ =	shalt  }
0x44: {  	_ =	shalt  }
0x45: {  	_ =	shalt  }
0x46: {  	_ =	shalt  }
0x47: {  	_ =	shalt  }
0x48: {  	_ =	shalt  }
0x49: {  	_ =	shalt  }
0x4a: {  	_ =	shalt  }
0x4b: {  	_ =	shalt  }
0x4c: {  	_ =	shalt  }
0x4d: {  	_ =	shalt  }
0x4e: {  	_ =	shalt  }
0x4f: {  	_ =	shalt  }
0x50: {  	_ =	shalt  }
0x51: {  	_ =	shalt  }
0x52: {  	_ =	shalt  }
0x53: {  	_ =	shalt  }
0x54: {  	_ =	shalt  }
0x55: {  	_ =	shalt  }
0x56: {  	_ =	shalt  }
0x57: {  	_ =	shalt  }
0x58: {  	_ =	shalt  }
0x59: {  	_ =	shalt  }
0x5a: {  	_ =	shalt  }
0x5b: {  	_ =	shalt  }
0x5c: {  	_ =	shalt  }
0x5d: {  	_ =	shalt  }
0x5e: {  	_ =	shalt  }
0x5f: {  	_ =	shalt  }
0x60: {  	_ =	shalt  }
0x61: {  	_ =	shalt  }
0x62: {  	_ =	shalt  }
0x63: {  	_ =	shalt  }
0x64: {  	_ =	shalt  }
0x65: {  	_ =	shalt  }
0x66: {  	_ =	shalt  }
0x67: {  	_ =	shalt  }
0x68: {  	_ =	shalt  }
0x69: {  	_ =	shalt  }
0x6a: {  	_ =	shalt  }
0x6b: {  	_ =	shalt  }
0x6c: {  	_ =	shalt  }
0x6d: {  	_ =	shalt  }
0x6e: {  	_ =	shalt  }
0x6f: {  	_ =	shalt  }
0x70: {  	_ =	shalt  }
0x71: {  	_ =	shalt  }
0x72: {  	_ =	shalt  }
0x73: {  	_ =	shalt  }
0x74: {  	_ =	shalt  }
0x75: {  	_ =	shalt  }
0x76: {  	_ =	shalt  }
0x77: {  	_ =	shalt  }
0x78: {  	_ =	shalt  }
0x79: {  	_ =	shalt  }
0x7a: {  	_ =	shalt  }
0x7b: {  	_ =	shalt  }
0x7c: {  	_ =	shalt  }
0x7d: {  	_ =	shalt  }
0x7e: {  	_ =	shalt  }
0x7f: {  	_ =	shalt  }
0x80: {  	_ =	shalt  }
0x81: {  	_ =	shalt  }
0x82: {  	_ =	shalt  }
0x83: {  	_ =	shalt  }
0x84: {  	_ =	shalt  }
0x85: {  	_ =	shalt  }
0x86: {  	_ =	shalt  }
0x87: {  	_ =	shalt  }
.Lfunc_end0:
.L_simem_size_0:
called_computation.1_lowered:
.L_overlay_start_0:
0x88: {  	s2 =	sld [smem:$0x3FD9]  }
0x89: {  	s3 =	sld [smem:$0x3FFE];
	_ =	sdelay $0x1  }
0x8a: {  	s1 =	srdreg.scid  }
0x8b: {  	s0 =	sand.u32 $0x1, s1  }
0x8c: {  	s17 =	sshll.u32 s0, $0xA;
	s2 =	sadd.s32 s3, s2  }
0x8d: {  	s2 =	sadd.s32 s2, s17  }
0x8e: {  	[smem:$0x3FC2] =	sst s2  }
0x8f: {  	_ = 	snop  }
0x90: {  	s2 =	sld [smem:$0x3FD0];
	(tm) =	ssettm $0x1  }
0x91: {  	s18 =	sld [smem:$0x3FFB];
	_ =	sdelay $0x3  }
0x92: {  	_ =	strace s18  }
0x93: {  	s3 =	sld [smem:$0x3FFC];
	_ =	sdelay $0x3  }
0x94: {  	_ =	strace s3  }
0x95: {  	s3 =	sld [smem:$0x3FFD];
	_ =	sdelay $0x3  }
0x96: {  	_ =	strace s3  }
0x97: {  	_ =	strace $0x8FFFFFFF  }
0x98: {  	s19 =	sld [smem:$0x3FDB];
	_ =	sdelay $0x1  }
0x99: {  	s4 =	simm.s32 $_scs_section_size  }
0x9a: {  	s5 =	simm.s32 $_size__tile_overlayer_lowered;
	s6 =	simm.s32 $_tile_overlayer_lowered  }
0x9b: {  	s22 =	simm.s32 $0x1BFF;
	s21 =	sshll.u32 s6, $0x1;
	s3 =	sadd.s32 s4, s19  }
0x9c: {  	s7 =	simm.s32 $0x0;
	s20 =	sshll.u32 s5, $0x1;
	s5 =	sadd.s32 s21, s3  }
0x9d: {  	[timem:s7], [sflag:s22] =	dma.local [hbm:s5], s20  }
0x9e: {  	_ =	swait.ge [sflag:s22], s20  }
0x9f: {  	s4 =	ssub.s32 $0x0, s20;
	[sflag:s22] =	ssyncset.done $0x0  }
0xa0: {  	[sflag:s22] =	ssyncadd.s32 s4;
	_ =	sdelay $0x1  }
0xa1: {  	s23 =	simm.s32 $0x1B8B  }
0xa2: {  	_ =	swait.ge [sflag:s23], $0x1  }
0xa3: {  	[sflag:s23] =	ssyncset.done $0x0  }
0xa4: {  	s25 =	simm.s32 $0x1B8E;
	s24 =	sld [smem:$0x3FFE];
	[sflag:s23] =	ssyncadd.s32 $0xFFFFFFFF  }
0xa5: {  	s26 =	simm.s32 $execute0_lowered;
	[smem:$0x3FD2] =	sst s25  }
0xa6: {  	s5 =	sshll.u32 s26, $0x1;
	_ =	strace $0x80000049;
	[dreg:$0x1] =	wrdreg $0xFFFFFFFF  }
0xa7: {  	s28 =	simm.s32 $_size_execute0_lowered;
	s3 =	sadd.s32 s3, s5;
	[dreg:$0x0] =	wrdreg $0x0  }
0xa8: {  	s5 =	sshll.u32 s28, $0x1;
	[dreg:$0x2] =	wrdreg s3  }
0xa9: {  	[dreg:$0x3] =	wrdreg s5  }
0xaa: {  	[dreg:$0x4] =	wrdreg $0xC0  }
0xab: {  	_ =	task [dreg:s7], $0x5FFFF  }
0xac: {  	[dreg:$0x1] =	wrdreg $0xFFFFFFFF  }
0xad: {  	[dreg:$0x0] =	wrdreg $0x60  }
0xae: {  	[dreg:$0x2] =	wrdreg s24  }
0xaf: {  	[dreg:$0x3] =	wrdreg s2  }
0xb0: {  	[dreg:$0x4] =	wrdreg $0xA0000  }
0xb1: {  	[dreg:$0x5] =	wrdreg $0x9  }
0xb2: {  	_ =	task.clear_ibuf [dreg:s7], $0x6FFFF;
	_ =	strace $0x90000049  }
0xb3: {  	s29 =	simm.s32 $0x9;
	_ =	strace $0x8000004B  }
0xb4: {  	_ =	swait.ge [sflag:s29], $0x1  }
0xb5: {  	[sflag:s29] =	ssyncadd.s32 $0xFFFFFFFF  }
0xb6: {  	_ =	strace $0x9000004B  }
0xb7: {  	_ =	sfence  }
0xb8: {  	s30 =	sld [smem:$0x0];
	_ =	sdelay $0x2  }
0xb9: {  	s31 =	sshll.u32 s1, $0xD;
	s1 =	sshrl.u32 s1, $0x2  }
0xba: {  	s3 =	sand.u32 $0x4000, s31;
	s1 =	sadd.s32 s1, s30  }
0xbb: {  	s0 =	sor.u32 s3, s0;
	s1 =	sshll.u32 s1, $0x11  }
0xbc: {  	s0 =	sor.u32 s1, s0  }
0xbd: {  	s0 =	sadd.s32 $0x8F2B, s0  }
0xbe: {  	[sflag:s0] =	ssyncadd.remote.s32 $0x1  }
0xbf: {  	_ =	sfence.sel $0xFFFF  }
0xc0: {  	[dreg:$0x0] =	wrdreg $0xFFFFFFFF;
	(pc) =	sbr.abs _section_cstart, $3  }
0xc1: {  	[dreg:$0x1] =	wrdreg $0xFFFFFFFF  }
0xc2: {  	_ =	task.clear_ibuf [dreg:s7], $0x2FFFF;
	_ =	strace $0x9FFFFFFF  }
0xc3: {  	(tm) =	ssettm $0x7FFFFFFF  }
tec
execute0_lowered:
.L_overlay_start_1:
0x0: {  	(tag) =	ssettag $0x1  }
0x1: {  	s0 =	rddreg [dreg:$0x0]  }
0x2: {  	s2 =	rddreg [dreg:$0x1]  }
0x3: {  	s3 =	rddreg [dreg:$0x2];
	s26 =	simm.s32 $0x0  }
0x4: {  	s13 =	simm.s32 $0x880;
	[smem:$0x7FF] =	sst s26  }
0x5: {  	s15 =	simm.s32 $0x180;
	_ =	strace $0x8000004A;
	[dreg:$0x7] =	wrdreg s13  }
0x6: {  	s17 =	simm.s32 $0x900;
	[dreg:$0x8] =	wrdreg s15  }
0x7: {  	s19 =	simm.s32 $0x200;
	[dreg:$0x9] =	wrdreg s17  }
0x8: {  	s1 =	srdreg.scid;
	s21 =	simm.s32 $0x980;
	[dreg:$0xa] =	wrdreg s19  }
0x9: {  	s4 =	stileid.u32;
	s23 =	simm.s32 $0x280;
	[dreg:$0xb] =	wrdreg s21  }
0xa: {  	s25 =	simm.s32 $0xA00;
	s30 =	simm.s32 $0x9000;
	[dreg:$0xc] =	wrdreg s23  }
0xb: {  	s11 =	smul.u32 $0x50000, s4;
	[dreg:$0xd] =	wrdreg s25;
	s17 =	simm.s32 $0xB80  }
0xc: {  	s6 =	smul.u32 $0x14000, s4;
	s19 =	simm.s32 $0x480;
	[dreg:$0x13] =	wrdreg s17  }
0xd: {  	s31 =	sshrl.u32 s11, $0x2;
	s11 =	simm.s32 $0x100;
	[dreg:$0x14] =	wrdreg s19  }
0xe: {  	s29 =	sadd.s32 s31, s3;
	[dreg:$0x6] =	wrdreg s11;
	s31 =	simm.s32 $0x300  }
0xf: {  	s5 =	sand.u32 $0x1, s1;
	s9 =	smul.u32 $0x2800, s4;
	[dreg:$0xe] =	wrdreg s31  }
0x10: {  	s1 =	smul.u32 $0x140000, s5;
	s12 =	sadd.s32 $0x2000, s29;
	[dreg:$0x17] =	wrdreg s29  }
0x11: {  	s7 =	smul.u32 $0x28000, s5;
	s14 =	sadd.s32 $0x3000, s29;
	[dreg:$0x19] =	wrdreg s12  }
0x12: {  	s28 =	ssub.s32 $0x2, s5;
	s16 =	sadd.s32 $0x4000, s29;
	[dreg:$0x1a] =	wrdreg s14  }
0x13: {  	s5 =	sshll.u32 s5, $0x4;
	s18 =	sadd.s32 $0x5000, s29;
	[dreg:$0x1b] =	wrdreg s16  }
0x14: {  	s10 =	sshrl.u32 s28, $0x1;
	s20 =	sadd.s32 $0x6000, s29;
	[dreg:$0x1c] =	wrdreg s18  }
0x15: {  	s17 =	simm.s32 $0x600;
	s22 =	sadd.s32 $0x7000, s29;
	[dreg:$0x1d] =	wrdreg s20  }
0x16: {  	s7 =	sadd.s32 s9, s7;
	s24 =	sadd.s32 $0x8000, s29;
	[dreg:$0x1e] =	wrdreg s22  }
0x17: {  	s9 =	sor.u32 s4, s5;
	s5 =	sadd.s32 $0xA000, s29;
	[dreg:$0x1f] =	wrdreg s24  }
0x18: {  	s19 =	simm.s32 $0x680;
	s11 =	sadd.s32 $0xB000, s29;
	[smem:$0x7F0] =	sst s5  }
0x19: {  	s6 =	sadd.s32 s6, s1;
	s13 =	sadd.s32 $0xC000, s29;
	[smem:$0x7F1] =	sst s11  }
0x1a: {  	s1 =	sadd.s32 $0xC400, s0;
	s15 =	sadd.s32 $0xD000, s29;
	[smem:$0x7F2] =	sst s13  }
0x1b: {  	s8 =	sshrl.u32 s6, $0x3;
	s23 =	sadd.s32 $0x10000, s29;
	[smem:$0x7F3] =	sst s15  }
0x1c: {  	s6 =	sadd.s32 $0x2400, s0;
	s25 =	sadd.s32 $0x11000, s29;
	[smem:$0x7F8] =	sst s23  }
0x1d: {  	s7 =	sshrl.u32 s7, $0x3;
	s31 =	sadd.s32 $0x13000, s29;
	[smem:$0x7FB] =	sst s25  }
0x1e: {  	s0 =	sadd.s32 s8, s0;
	s4 =	sadd.s32 s7, s6;
	[smem:$0x7FD] =	sst s31  }
0x1f: {  	s8 =	ssub.s32 s28, s10;
	s10 =	sadd.s32 $0x1000, s29;
	[dreg:$0x4] =	wrdreg s4  }
0x20: {  	s9 =	smul.u32 $0x500, s9;
	s7 =	sadd.s32 s7, s1;
	[dreg:$0x18] =	wrdreg s10  }
0x21: {  	s28 =	sadd.s32 $0x9000, s29;
	s12 =	simm.s32 $0x380;
	[dreg:$0x5] =	wrdreg s7  }
0x22: {  	s14 =	simm.s32 $0xB00;
	s16 =	simm.s32 $0x400;
	[smem:$0x7EF] =	sst s28  }
0x23: {  	s18 =	sadd.s32 $0xE000, s29;
	s20 =	simm.s32 $0xC00;
	[dreg:$0x10] =	wrdreg s12  }
0x24: {  	s22 =	sadd.s32 $0xF000, s29;
	s5 =	simm.s32 $0x6;
	[dreg:$0x11] =	wrdreg s14  }
0x25: {  	s11 =	simm.s32 $0x2;
	s13 =	simm.s32 $0x500;
	[dreg:$0x12] =	wrdreg s16  }
0x26: {  	s15 =	simm.s32 $0x580;
	s23 =	simm.s32 $0x780;
	[smem:$0x7F4] =	sst s18  }
0x27: {  	s25 =	simm.s32 $0xF80;
	s10 =	simm.s32 $0xA80;
	[smem:$0x7F7] =	sst s22  }
0x28: {  	s1 =	sadd.s32 s1, s9;
	s21 =	sadd.s32 s6, s9;
	[dreg:$0x15] =	wrdreg s20  }
0x29: {  	s0 =	sadd.s32 $0x16400, s0;
	s24 =	smax.u32 s8, $0x1;
	s28 =	sadd.s32 $0x12000, s29  }
0x2a: {  	s6 =	simm.s32 $0x1000;
	s7 =	simm.s32 $0x5;
	[dreg:$0xf] =	wrdreg s10  }
0x2b: {  	s8 =	simm.s32 $0x5000;
	s9 =	simm.s32 $0x1;
	[smem:$0x7F5] =	sst s1  }
0x2c: {  	s12 =	simm.s32 $0x4;
	s14 =	simm.s32 $0xC80;
	[smem:$0x7F6] =	sst s21  }
0x2d: {  	s16 =	simm.s32 $0xD00;
	s18 =	simm.s32 $0xD80;
	[smem:$0x7F9] =	sst s0  }
0x2e: {  	s20 =	simm.s32 $0xE00;
	s22 =	simm.s32 $0xE80;
	[smem:$0x7FA] =	sst s24  }
0x2f: {  	[smem:$0x7FC] =	sst s28;
	s0 =	simm.s32 $0x800;
	s1 =	simm.s32 $0x80  }
0x30: {  	v0 =	vimm.f32 $0.0e+00;
	s10 =	simm.s32 $0x3;
	s21 =	simm.s32 $0x700;
	s24 =	simm.s32 $0xF00  }
.LBB2_1:
0x31: {  	[dreg:$0x16] =	wrdreg s26;
	s26 =	simm.s32 $0x0;
	s28 =	simm.s32 $0x200  }
.LBB2_2:
0x32: {  	p0 =	sne.s32 s28, $0x3E00;
	[tilespmem:s26+$0x9070] =	vst v0  }
0x33: {  	[tilespmem:s26+$0x9000] =	vst v0  }
0x34: {  	[tilespmem:s26+$0x9010] =	vst v0  }
.Ltmp0:
0x35: {  	[tilespmem:s26+$0x9020] =	vst v0;
	(pc) =	sbr.rel @p0 .LBB2_2-.Ltmp0, $4  }
0x36: {  	[tilespmem:s26+$0x9030] =	vst v0  }
0x37: {  	[tilespmem:s26+$0x9040] =	vst v0  }
0x38: {  	[tilespmem:s26+$0x9050] =	vst v0  }
0x39: {  	[tilespmem:s26+$0x9060] =	vst v0;
	s26 =	sshra.s32 s28, $0x2;
	s28 =	sadd.s32 $0x200, s28  }
0x3a: {  	[tilespmem:s26+$0x9070] =	vst v0  }
0x3b: {  	[tilespmem:s26+$0x9000] =	vst v0  }
0x3c: {  	[tilespmem:s26+$0x9010] =	vst v0  }
0x3d: {  	[tilespmem:s26+$0x9020] =	vst v0  }
0x3e: {  	[tilespmem:s26+$0x9030] =	vst v0  }
0x3f: {  	[tilespmem:s26+$0x9040] =	vst v0  }
0x40: {  	[tilespmem:s26+$0x9050] =	vst v0  }
0x41: {  	[tilespmem:s26+$0x9060] =	vst v0;
	s4 =	rddreg [dreg:$0x18]  }
0x42: {  	[spmem:s29] =	stream.linear.scatter [tilespmem:s30], [sflag:$0x5], $0x1000, $0x38;
	[tilespmem:$0x1E000] =	vst v63  }
0x43: {  	s31 =	rddreg [dreg:$0x19]  }
0x44: {  	[spmem:s4] =	stream.linear.scatter [tilespmem:s30], [sflag:$0x5], $0x1000, $0x38;
	[tilespmem:$0x1E000] =	vst v63  }
0x45: {  	s26 =	rddreg [dreg:$0x1a]  }
0x46: {  	[spmem:s31] =	stream.linear.scatter [tilespmem:s30], [sflag:$0x5], $0x1000, $0x38;
	[tilespmem:$0x1E000] =	vst v63  }
0x47: {  	s31 =	rddreg [dreg:$0x1b]  }
0x48: {  	[spmem:s26] =	stream.linear.scatter [tilespmem:s30], [sflag:$0x5], $0x1000, $0x38;
	[tilespmem:$0x1E000] =	vst v63  }
0x49: {  	s26 =	rddreg [dreg:$0x1c]  }
0x4a: {  	[spmem:s31] =	stream.linear.scatter [tilespmem:s30], [sflag:$0x5], $0x1000, $0x38;
	[tilespmem:$0x1E000] =	vst v63  }
0x4b: {  	s31 =	rddreg [dreg:$0x1d]  }
0x4c: {  	[spmem:s26] =	stream.linear.scatter [tilespmem:s30], [sflag:$0x5], $0x1000, $0x38;
	[tilespmem:$0x1E000] =	vst v63  }
0x4d: {  	s26 =	rddreg [dreg:$0x1e]  }
0x4e: {  	[spmem:s31] =	stream.linear.scatter [tilespmem:s30], [sflag:$0x5], $0x1000, $0x38;
	[tilespmem:$0x1E000] =	vst v63  }
0x4f: {  	s31 =	rddreg [dreg:$0x1f]  }
0x50: {  	[spmem:s26] =	stream.linear.scatter [tilespmem:s30], [sflag:$0x5], $0x1000, $0x38;
	[tilespmem:$0x1E000] =	vst v63  }
0x51: {  	s26 =	sld [smem:$0x7EF]  }
0x52: {  	[spmem:s31] =	stream.linear.scatter [tilespmem:s30], [sflag:$0x5], $0x1000, $0x38;
	[tilespmem:$0x1E000] =	vst v63  }
0x53: {  	s31 =	sld [smem:$0x7F0]  }
0x54: {  	[spmem:s26] =	stream.linear.scatter [tilespmem:s30], [sflag:$0x5], $0x1000, $0x38;
	[tilespmem:$0x1E000] =	vst v63  }
0x55: {  	s26 =	sld [smem:$0x7F1]  }
0x56: {  	[spmem:s31] =	stream.linear.scatter [tilespmem:s30], [sflag:$0x5], $0x1000, $0x38;
	[tilespmem:$0x1E000] =	vst v63  }
0x57: {  	s31 =	sld [smem:$0x7F2]  }
0x58: {  	[spmem:s26] =	stream.linear.scatter [tilespmem:s30], [sflag:$0x5], $0x1000, $0x38;
	[tilespmem:$0x1E000] =	vst v63  }
0x59: {  	s26 =	sld [smem:$0x7F3]  }
0x5a: {  	[spmem:s31] =	stream.linear.scatter [tilespmem:s30], [sflag:$0x5], $0x1000, $0x38;
	[tilespmem:$0x1E000] =	vst v63  }
0x5b: {  	s31 =	sld [smem:$0x7F4]  }
0x5c: {  	[spmem:s26] =	stream.linear.scatter [tilespmem:s30], [sflag:$0x5], $0x1000, $0x38;
	[tilespmem:$0x1E000] =	vst v63  }
0x5d: {  	s26 =	sld [smem:$0x7F7]  }
0x5e: {  	[spmem:s31] =	stream.linear.scatter [tilespmem:s30], [sflag:$0x5], $0x1000, $0x38;
	[tilespmem:$0x1E000] =	vst v63  }
0x5f: {  	s31 =	sld [smem:$0x7F8]  }
0x60: {  	[spmem:s26] =	stream.linear.scatter [tilespmem:s30], [sflag:$0x5], $0x1000, $0x38;
	[tilespmem:$0x1E000] =	vst v63  }
0x61: {  	s26 =	sld [smem:$0x7FB]  }
0x62: {  	[spmem:s31] =	stream.linear.scatter [tilespmem:s30], [sflag:$0x5], $0x1000, $0x38;
	[tilespmem:$0x1E000] =	vst v63  }
0x63: {  	s31 =	sld [smem:$0x7FC]  }
0x64: {  	[spmem:s26] =	stream.linear.scatter [tilespmem:s30], [sflag:$0x5], $0x1000, $0x38;
	[tilespmem:$0x1E000] =	vst v63  }
0x65: {  	s26 =	sld [smem:$0x7FD]  }
0x66: {  	[spmem:s31] =	stream.linear.scatter [tilespmem:s30], [sflag:$0x5], $0x1000, $0x38;
	[tilespmem:$0x1E000] =	vst v63  }
0x67: {  	s31 =	sld [smem:$0x7F5]  }
0x68: {  	[spmem:s26] =	stream.linear.scatter [tilespmem:s30], [sflag:$0x5], $0x1000, $0x38;
	[tilespmem:$0x1E000] =	vst v63  }
0x69: {  	s26 =	simm.s32 $0x0  }
0x6a: {  	[tilespmem:s26], [sflag:$0x6] =	stream.linear.gather [hbm4b:s31+s26], $0x800, $0x38;
	[tilespmem:$0x1E000] =	vst v63  }
0x6b: {  	_ =	swait.ge [sflag:s5], $0x800  }
0x6c: {  	s31 =	sld [smem:$0x7F6]  }
0x6d: {  	[sflag:s5] =	ssyncset.done $0x0  }
0x6e: {  	[sflag:s5] =	ssyncadd.s32 $0xFFFFF800  }
0x6f: {  	[tilespmem:s0], [sflag:$0x6] =	stream.linear.gather [hbm4b:s31+s26], $0x800, $0x38;
	[tilespmem:$0x1E000] =	vst v63  }
0x70: {  	_ =	swait.ge [sflag:s5], $0x800  }
0x71: {  	[sflag:s5] =	ssyncset.done $0x0  }
0x72: {  	[sflag:s5] =	ssyncadd.s32 $0xFFFFF800  }
0x73: {  	[tilespmem:s6], [sflag:$0x1] =	stream.indirect.gather [hbm4b:s2+s1], $0x80, s26, s1, $0xb8;
	[tilespmem:$0x1E000] =	vst v63  }
0x74: {  	_ =	swait.ge [sflag:s7], $0x1000  }
0x75: {  	[sflag:s7] =	ssyncset.done $0x0  }
0x76: {  	[sflag:s7] =	ssyncadd.s32 $0xFFFFF000  }
0x77: {  	_ =	swait.ge [sflag:s7], $0x1000  }
0x78: {  	[sflag:s7] =	ssyncset.done $0x0  }
0x79: {  	[sflag:s7] =	ssyncadd.s32 $0xFFFFF000  }
0x7a: {  	_ =	swait.ge [sflag:s7], $0x1000  }
0x7b: {  	[sflag:s7] =	ssyncset.done $0x0  }
0x7c: {  	[sflag:s7] =	ssyncadd.s32 $0xFFFFF000  }
0x7d: {  	_ =	swait.ge [sflag:s7], $0x1000  }
0x7e: {  	[sflag:s7] =	ssyncset.done $0x0  }
0x7f: {  	[sflag:s7] =	ssyncadd.s32 $0xFFFFF000  }
0x80: {  	_ =	swait.ge [sflag:s7], $0x1000  }
0x81: {  	[sflag:s7] =	ssyncset.done $0x0  }
0x82: {  	[sflag:s7] =	ssyncadd.s32 $0xFFFFF000  }
0x83: {  	_ =	swait.ge [sflag:s7], $0x1000  }
0x84: {  	[sflag:s7] =	ssyncset.done $0x0  }
0x85: {  	[sflag:s7] =	ssyncadd.s32 $0xFFFFF000  }
0x86: {  	_ =	swait.ge [sflag:s7], $0x1000  }
0x87: {  	[sflag:s7] =	ssyncset.done $0x0  }
0x88: {  	[sflag:s7] =	ssyncadd.s32 $0xFFFFF000  }
0x89: {  	_ =	swait.ge [sflag:s7], $0x1000  }
0x8a: {  	[sflag:s7] =	ssyncset.done $0x0  }
0x8b: {  	[sflag:s7] =	ssyncadd.s32 $0xFFFFF000  }
0x8c: {  	_ =	swait.ge [sflag:s7], $0x1000  }
0x8d: {  	[sflag:s7] =	ssyncset.done $0x0  }
0x8e: {  	[sflag:s7] =	ssyncadd.s32 $0xFFFFF000  }
0x8f: {  	_ =	swait.ge [sflag:s7], $0x1000  }
0x90: {  	[sflag:s7] =	ssyncset.done $0x0  }
0x91: {  	[sflag:s7] =	ssyncadd.s32 $0xFFFFF000  }
0x92: {  	_ =	swait.ge [sflag:s7], $0x1000  }
0x93: {  	[sflag:s7] =	ssyncset.done $0x0  }
0x94: {  	[sflag:s7] =	ssyncadd.s32 $0xFFFFF000  }
0x95: {  	_ =	swait.ge [sflag:s7], $0x1000  }
0x96: {  	[sflag:s7] =	ssyncset.done $0x0  }
0x97: {  	[sflag:s7] =	ssyncadd.s32 $0xFFFFF000  }
0x98: {  	_ =	swait.ge [sflag:s7], $0x1000  }
0x99: {  	[sflag:s7] =	ssyncset.done $0x0  }
0x9a: {  	[sflag:s7] =	ssyncadd.s32 $0xFFFFF000  }
0x9b: {  	_ =	swait.ge [sflag:s7], $0x1000  }
0x9c: {  	[sflag:s7] =	ssyncset.done $0x0  }
0x9d: {  	[sflag:s7] =	ssyncadd.s32 $0xFFFFF000  }
0x9e: {  	_ =	swait.ge [sflag:s7], $0x1000  }
0x9f: {  	[sflag:s7] =	ssyncset.done $0x0  }
0xa0: {  	[sflag:s7] =	ssyncadd.s32 $0xFFFFF000  }
0xa1: {  	_ =	swait.ge [sflag:s7], $0x1000  }
0xa2: {  	[sflag:s7] =	ssyncset.done $0x0  }
0xa3: {  	[sflag:s7] =	ssyncadd.s32 $0xFFFFF000  }
0xa4: {  	_ =	swait.ge [sflag:s7], $0x1000  }
0xa5: {  	[sflag:s7] =	ssyncset.done $0x0  }
0xa6: {  	[sflag:s7] =	ssyncadd.s32 $0xFFFFF000  }
0xa7: {  	_ =	swait.ge [sflag:s7], $0x1000  }
0xa8: {  	[sflag:s7] =	ssyncset.done $0x0  }
0xa9: {  	[sflag:s7] =	ssyncadd.s32 $0xFFFFF000  }
0xaa: {  	_ =	swait.ge [sflag:s7], $0x1000  }
0xab: {  	[sflag:s7] =	ssyncset.done $0x0  }
0xac: {  	[sflag:s7] =	ssyncadd.s32 $0xFFFFF000  }
0xad: {  	_ =	swait.ge [sflag:s7], $0x1000  }
0xae: {  	[sflag:s7] =	ssyncset.done $0x0  }
0xaf: {  	[sflag:s7] =	ssyncadd.s32 $0xFFFFF000  }
0xb0: {  	[bflag:$0x0] =	sbarrier.arrive $0xFFFF  }
0xb1: {  	p0 =	por $0x1, $0x1;
	s26 =	rddreg [dreg:$0x5]  }
0xb2: {  	s28 =	simm.s32 @!p0 $0x0;
	s29 =	simm.s32 @!p0 $0x6;
	s26 =	sadd.s32 @!p0 $0x0, s26  }
0xb3: {  	[tilespmem:s28], [sflag:$0x6] =	stream.linear.gather @!p0 [hbm4b:s26+s28], $0x800, $0x38;
	[tilespmem:$0x1E000] =	vst v63  }
0xb4: {  	_ =	swait.ge @!p0 [sflag:s29], $0x800  }
0xb5: {  	s26 =	rddreg [dreg:$0x4];
	[sflag:s29] =	ssyncset.done @!p0 $0x0  }
0xb6: {  	s5 =	simm.s32 @!p0 $0x800;
	[sflag:s29] =	ssyncadd.s32 @!p0 $0xFFFFF800;
	s26 =	sadd.s32 @!p0 $0x0, s26  }
0xb7: {  	[tilespmem:s5], [sflag:$0x6] =	stream.linear.gather @!p0 [hbm4b:s26+s28], $0x800, $0x38;
	[tilespmem:$0x1E000] =	vst v63  }
0xb8: {  	_ =	swait.ge @!p0 [sflag:s29], $0x800  }
0xb9: {  	[sflag:s29] =	ssyncset.done @!p0 $0x0  }
0xba: {  	s5 =	simm.s32 @!p0 $0x80;
	s26 =	simm.s32 @!p0 $0x1000;
	[sflag:s29] =	ssyncadd.s32 @!p0 $0xFFFFF800  }
0xbb: {  	[tilespmem:s26], [sflag:$0x1] =	stream.indirect.gather @!p0 [hbm4b:s2+s5], $0x80, s28, s5, $0xb8;
	[tilespmem:$0x1E000] =	vst v63  }
0xbc: {  	_ = 	snop  }
0xbd: {  	[tilespmem:s8], [sflag:$0x2] =	stream.indirect.gather [hbm4b:s2+s1], $0x80, s1, s1, $0xb8;
	[tilespmem:$0x1E000] =	vst v63  }
0xbe: {  	_ =	swait.ge [sflag:s9], $0x4000  }
0xbf: {  	[sflag:s9] =	ssyncset.done $0x0  }
0xc0: {  	[sflag:s9] =	ssyncadd.s32 $0xFFFFC000  }
0xc1: {  	[spmem:s3] =	stream.indirect.scatter.add.f32 [tilespmem:s6], [sflag:$0x3], $0x80, s0, s1, $0xb8;
	[tilespmem:$0x1E000] =	vst v63  }
0xc2: {  	_ =	swait.ge [sflag:s10], $0x4000  }
0xc3: {  	[sflag:s10] =	ssyncset.done $0x0  }
0xc4: {  	s31 =	rddreg [dreg:$0x6];
	[sflag:s10] =	ssyncadd.s32 $0xFFFFC000  }
0xc5: {  	[tilespmem:s6], [sflag:$0x1] =	stream.indirect.gather [hbm4b:s2+s1], $0x80, s31, s1, $0xb8;
	[tilespmem:$0x1E000] =	vst v63  }
0xc6: {  	_ =	swait.ge [sflag:s11], $0x4000  }
0xc7: {  	[sflag:s11] =	ssyncset.done $0x0  }
0xc8: {  	s4 =	rddreg [dreg:$0x7];
	[sflag:s11] =	ssyncadd.s32 $0xFFFFC000  }
0xc9: {  	[spmem:s3] =	stream.indirect.scatter.add.f32 [tilespmem:s8], [sflag:$0x4], $0x80, s4, s1, $0xb8;
	[tilespmem:$0x1E000] =	vst v63  }
0xca: {  	_ =	swait.ge [sflag:s12], $0x4000  }
0xcb: {  	[sflag:s12] =	ssyncset.done $0x0  }
0xcc: {  	s26 =	rddreg [dreg:$0x8];
	[sflag:s12] =	ssyncadd.s32 $0xFFFFC000  }
0xcd: {  	[tilespmem:s8], [sflag:$0x2] =	stream.indirect.gather [hbm4b:s2+s1], $0x80, s26, s1, $0xb8;
	[tilespmem:$0x1E000] =	vst v63  }
0xce: {  	_ =	swait.ge [sflag:s9], $0x4000  }
0xcf: {  	[sflag:s9] =	ssyncset.done $0x0  }
0xd0: {  	s31 =	rddreg [dreg:$0x9];
	[sflag:s9] =	ssyncadd.s32 $0xFFFFC000  }
0xd1: {  	[spmem:s3] =	stream.indirect.scatter.add.f32 [tilespmem:s6], [sflag:$0x3], $0x80, s31, s1, $0xb8;
	[tilespmem:$0x1E000] =	vst v63  }
0xd2: {  	_ =	swait.ge [sflag:s10], $0x4000  }
0xd3: {  	[sflag:s10] =	ssyncset.done $0x0  }
0xd4: {  	s4 =	rddreg [dreg:$0xa];
	[sflag:s10] =	ssyncadd.s32 $0xFFFFC000  }
0xd5: {  	[tilespmem:s6], [sflag:$0x1] =	stream.indirect.gather [hbm4b:s2+s1], $0x80, s4, s1, $0xb8;
	[tilespmem:$0x1E000] =	vst v63  }
0xd6: {  	_ =	swait.ge [sflag:s11], $0x4000  }
0xd7: {  	[sflag:s11] =	ssyncset.done $0x0  }
0xd8: {  	s26 =	rddreg [dreg:$0xb];
	[sflag:s11] =	ssyncadd.s32 $0xFFFFC000  }
0xd9: {  	[spmem:s3] =	stream.indirect.scatter.add.f32 [tilespmem:s8], [sflag:$0x4], $0x80, s26, s1, $0xb8;
	[tilespmem:$0x1E000] =	vst v63  }
0xda: {  	_ =	swait.ge [sflag:s12], $0x4000  }
0xdb: {  	[sflag:s12] =	ssyncset.done $0x0  }
0xdc: {  	s31 =	rddreg [dreg:$0xc];
	[sflag:s12] =	ssyncadd.s32 $0xFFFFC000  }
0xdd: {  	[tilespmem:s8], [sflag:$0x2] =	stream.indirect.gather [hbm4b:s2+s1], $0x80, s31, s1, $0xb8;
	[tilespmem:$0x1E000] =	vst v63  }
0xde: {  	_ =	swait.ge [sflag:s9], $0x4000  }
0xdf: {  	[sflag:s9] =	ssyncset.done $0x0  }
0xe0: {  	s4 =	rddreg [dreg:$0xd];
	[sflag:s9] =	ssyncadd.s32 $0xFFFFC000  }
0xe1: {  	[spmem:s3] =	stream.indirect.scatter.add.f32 [tilespmem:s6], [sflag:$0x3], $0x80, s4, s1, $0xb8;
	[tilespmem:$0x1E000] =	vst v63  }
0xe2: {  	_ =	swait.ge [sflag:s10], $0x4000  }
0xe3: {  	[sflag:s10] =	ssyncset.done $0x0  }
0xe4: {  	s26 =	rddreg [dreg:$0xe];
	[sflag:s10] =	ssyncadd.s32 $0xFFFFC000  }
0xe5: {  	[tilespmem:s6], [sflag:$0x1] =	stream.indirect.gather [hbm4b:s2+s1], $0x80, s26, s1, $0xb8;
	[tilespmem:$0x1E000] =	vst v63  }
0xe6: {  	_ =	swait.ge [sflag:s11], $0x4000  }
0xe7: {  	[sflag:s11] =	ssyncset.done $0x0  }
0xe8: {  	s31 =	rddreg [dreg:$0xf];
	[sflag:s11] =	ssyncadd.s32 $0xFFFFC000  }
0xe9: {  	[spmem:s3] =	stream.indirect.scatter.add.f32 [tilespmem:s8], [sflag:$0x4], $0x80, s31, s1, $0xb8;
	[tilespmem:$0x1E000] =	vst v63  }
0xea: {  	_ =	swait.ge [sflag:s12], $0x4000  }
0xeb: {  	[sflag:s12] =	ssyncset.done $0x0  }
0xec: {  	s4 =	rddreg [dreg:$0x10];
	[sflag:s12] =	ssyncadd.s32 $0xFFFFC000  }
0xed: {  	[tilespmem:s8], [sflag:$0x2] =	stream.indirect.gather [hbm4b:s2+s1], $0x80, s4, s1, $0xb8;
	[tilespmem:$0x1E000] =	vst v63  }
0xee: {  	_ =	swait.ge [sflag:s9], $0x4000  }
0xef: {  	[sflag:s9] =	ssyncset.done $0x0  }
0xf0: {  	s26 =	rddreg [dreg:$0x11];
	[sflag:s9] =	ssyncadd.s32 $0xFFFFC000  }
0xf1: {  	[spmem:s3] =	stream.indirect.scatter.add.f32 [tilespmem:s6], [sflag:$0x3], $0x80, s26, s1, $0xb8;
	[tilespmem:$0x1E000] =	vst v63  }
0xf2: {  	_ =	swait.ge [sflag:s10], $0x4000  }
0xf3: {  	[sflag:s10] =	ssyncset.done $0x0  }
0xf4: {  	s31 =	rddreg [dreg:$0x12];
	[sflag:s10] =	ssyncadd.s32 $0xFFFFC000  }
0xf5: {  	[tilespmem:s6], [sflag:$0x1] =	stream.indirect.gather [hbm4b:s2+s1], $0x80, s31, s1, $0xb8;
	[tilespmem:$0x1E000] =	vst v63  }
0xf6: {  	_ =	swait.ge [sflag:s11], $0x4000  }
0xf7: {  	[sflag:s11] =	ssyncset.done $0x0  }
0xf8: {  	s4 =	rddreg [dreg:$0x13];
	[sflag:s11] =	ssyncadd.s32 $0xFFFFC000  }
0xf9: {  	[spmem:s3] =	stream.indirect.scatter.add.f32 [tilespmem:s8], [sflag:$0x4], $0x80, s4, s1, $0xb8;
	[tilespmem:$0x1E000] =	vst v63  }
0xfa: {  	_ =	swait.ge [sflag:s12], $0x4000  }
0xfb: {  	[sflag:s12] =	ssyncset.done $0x0  }
0xfc: {  	s26 =	rddreg [dreg:$0x14];
	[sflag:s12] =	ssyncadd.s32 $0xFFFFC000  }
0xfd: {  	[tilespmem:s8], [sflag:$0x2] =	stream.indirect.gather [hbm4b:s2+s1], $0x80, s26, s1, $0xb8;
	[tilespmem:$0x1E000] =	vst v63  }
0xfe: {  	_ =	swait.ge [sflag:s9], $0x4000  }
0xff: {  	[sflag:s9] =	ssyncset.done $0x0  }
0x100: {  	s31 =	rddreg [dreg:$0x15];
	[sflag:s9] =	ssyncadd.s32 $0xFFFFC000  }
0x101: {  	[spmem:s3] =	stream.indirect.scatter.add.f32 [tilespmem:s6], [sflag:$0x3], $0x80, s31, s1, $0xb8;
	[tilespmem:$0x1E000] =	vst v63  }
0x102: {  	_ =	swait.ge [sflag:s10], $0x4000  }
0x103: {  	[sflag:s10] =	ssyncset.done $0x0  }
0x104: {  	[sflag:s10] =	ssyncadd.s32 $0xFFFFC000  }
0x105: {  	[tilespmem:s6], [sflag:$0x1] =	stream.indirect.gather [hbm4b:s2+s1], $0x80, s13, s1, $0xb8;
	[tilespmem:$0x1E000] =	vst v63  }
0x106: {  	_ =	swait.ge [sflag:s11], $0x4000  }
0x107: {  	[sflag:s11] =	ssyncset.done $0x0  }
0x108: {  	[sflag:s11] =	ssyncadd.s32 $0xFFFFC000  }
0x109: {  	[spmem:s3] =	stream.indirect.scatter.add.f32 [tilespmem:s8], [sflag:$0x4], $0x80, s14, s1, $0xb8;
	[tilespmem:$0x1E000] =	vst v63  }
0x10a: {  	_ =	swait.ge [sflag:s12], $0x4000  }
0x10b: {  	[sflag:s12] =	ssyncset.done $0x0  }
0x10c: {  	[sflag:s12] =	ssyncadd.s32 $0xFFFFC000  }
0x10d: {  	[tilespmem:s8], [sflag:$0x2] =	stream.indirect.gather [hbm4b:s2+s1], $0x80, s15, s1, $0xb8;
	[tilespmem:$0x1E000] =	vst v63  }
0x10e: {  	_ =	swait.ge [sflag:s9], $0x4000  }
0x10f: {  	[sflag:s9] =	ssyncset.done $0x0  }
0x110: {  	[sflag:s9] =	ssyncadd.s32 $0xFFFFC000  }
0x111: {  	[spmem:s3] =	stream.indirect.scatter.add.f32 [tilespmem:s6], [sflag:$0x3], $0x80, s16, s1, $0xb8;
	[tilespmem:$0x1E000] =	vst v63  }
0x112: {  	_ =	swait.ge [sflag:s10], $0x4000  }
0x113: {  	[sflag:s10] =	ssyncset.done $0x0  }
0x114: {  	[sflag:s10] =	ssyncadd.s32 $0xFFFFC000  }
0x115: {  	[tilespmem:s6], [sflag:$0x1] =	stream.indirect.gather [hbm4b:s2+s1], $0x80, s17, s1, $0xb8;
	[tilespmem:$0x1E000] =	vst v63  }
0x116: {  	_ =	swait.ge [sflag:s11], $0x4000  }
0x117: {  	[sflag:s11] =	ssyncset.done $0x0  }
0x118: {  	[sflag:s11] =	ssyncadd.s32 $0xFFFFC000  }
0x119: {  	[spmem:s3] =	stream.indirect.scatter.add.f32 [tilespmem:s8], [sflag:$0x4], $0x80, s18, s1, $0xb8;
	[tilespmem:$0x1E000] =	vst v63  }
0x11a: {  	_ =	swait.ge [sflag:s12], $0x4000  }
0x11b: {  	[sflag:s12] =	ssyncset.done $0x0  }
0x11c: {  	[sflag:s12] =	ssyncadd.s32 $0xFFFFC000  }
0x11d: {  	[tilespmem:s8], [sflag:$0x2] =	stream.indirect.gather [hbm4b:s2+s1], $0x80, s19, s1, $0xb8;
	[tilespmem:$0x1E000] =	vst v63  }
0x11e: {  	_ =	swait.ge [sflag:s9], $0x4000  }
0x11f: {  	[sflag:s9] =	ssyncset.done $0x0  }
0x120: {  	[sflag:s9] =	ssyncadd.s32 $0xFFFFC000  }
0x121: {  	[spmem:s3] =	stream.indirect.scatter.add.f32 [tilespmem:s6], [sflag:$0x3], $0x80, s20, s1, $0xb8;
	[tilespmem:$0x1E000] =	vst v63  }
0x122: {  	_ =	swait.ge [sflag:s10], $0x4000  }
0x123: {  	[sflag:s10] =	ssyncset.done $0x0  }
0x124: {  	[sflag:s10] =	ssyncadd.s32 $0xFFFFC000  }
0x125: {  	[tilespmem:s6], [sflag:$0x1] =	stream.indirect.gather [hbm4b:s2+s1], $0x80, s21, s1, $0xb8;
	[tilespmem:$0x1E000] =	vst v63  }
0x126: {  	_ =	swait.ge [sflag:s11], $0x4000  }
0x127: {  	[sflag:s11] =	ssyncset.done $0x0  }
0x128: {  	[sflag:s11] =	ssyncadd.s32 $0xFFFFC000  }
0x129: {  	[spmem:s3] =	stream.indirect.scatter.add.f32 [tilespmem:s8], [sflag:$0x4], $0x80, s22, s1, $0xb8;
	[tilespmem:$0x1E000] =	vst v63  }
0x12a: {  	_ =	swait.ge [sflag:s12], $0x4000  }
0x12b: {  	[sflag:s12] =	ssyncset.done $0x0  }
0x12c: {  	[sflag:s12] =	ssyncadd.s32 $0xFFFFC000  }
0x12d: {  	[tilespmem:s8], [sflag:$0x2] =	stream.indirect.gather [hbm4b:s2+s1], $0x80, s23, s1, $0xb8;
	[tilespmem:$0x1E000] =	vst v63  }
0x12e: {  	_ =	swait.ge [sflag:s9], $0x4000  }
0x12f: {  	[sflag:s9] =	ssyncset.done $0x0  }
0x130: {  	[sflag:s9] =	ssyncadd.s32 $0xFFFFC000  }
0x131: {  	[spmem:s3] =	stream.indirect.scatter.add.f32 [tilespmem:s6], [sflag:$0x3], $0x80, s24, s1, $0xb8;
	[tilespmem:$0x1E000] =	vst v63  }
0x132: {  	_ =	swait.ge [sflag:s10], $0x4000  }
0x133: {  	[sflag:s10] =	ssyncset.done $0x0  }
0x134: {  	[sflag:s10] =	ssyncadd.s32 $0xFFFFC000  }
0x135: {  	_ =	swait.ge [sflag:s11], $0x4000  }
0x136: {  	[sflag:s11] =	ssyncset.done $0x0  }
0x137: {  	[sflag:s11] =	ssyncadd.s32 $0xFFFFC000  }
0x138: {  	[spmem:s3] =	stream.indirect.scatter.add.f32 [tilespmem:s8], [sflag:$0x4], $0x80, s25, s1, $0xb8;
	[tilespmem:$0x1E000] =	vst v63  }
0x139: {  	s28 =	simm.s32 $0x200;
	_ =	swait.ge [sflag:s12], $0x4000  }
0x13a: {  	s26 =	simm.s32 $0x100;
	s29 =	rddreg [dreg:$0x5];
	[sflag:s12] =	ssyncset.done $0x0  }
.LBB2_4:
0x13b: {  	[sflag:s12] =	ssyncadd.s32 $0xFFFFC000;
	p1 =	seq.s32 s26, $0x0  }
0x13c: {  	s29 =	sadd.s32 @!p1 s26, s29;
	s31 =	simm.s32 @!p1 $0x0;
	s4 =	simm.s32 @!p1 $0x6  }
0x13d: {  	[tilespmem:s31], [sflag:$0x6] =	stream.linear.gather @!p1 [hbm4b:s29+s31], $0x800, $0x38;
	[tilespmem:$0x1E000] =	vst v63  }
0x13e: {  	_ =	swait.ge @!p1 [sflag:s4], $0x800  }
0x13f: {  	s29 =	rddreg [dreg:$0x4];
	[sflag:s4] =	ssyncset.done @!p1 $0x0  }
0x140: {  	[sflag:s4] =	ssyncadd.s32 @!p1 $0xFFFFF800;
	s26 =	sadd.s32 @!p1 s26, s29;
	s29 =	simm.s32 @!p1 $0x800  }
0x141: {  	[tilespmem:s29], [sflag:$0x6] =	stream.linear.gather @!p1 [hbm4b:s26+s31], $0x800, $0x38;
	[tilespmem:$0x1E000] =	vst v63  }
0x142: {  	s5 =	smov.u32 s28;
	_ =	swait.ge @!p1 [sflag:s4], $0x800  }
0x143: {  	s26 =	smov.u32 s5;
	[sflag:s4] =	ssyncset.done @!p1 $0x0  }
0x144: {  	s5 =	simm.s32 @!p1 $0x1000;
	[sflag:s4] =	ssyncadd.s32 @!p1 $0xFFFFF800;
	s4 =	simm.s32 @!p1 $0x80  }
0x145: {  	[tilespmem:s5], [sflag:$0x1] =	stream.indirect.gather @!p1 [hbm4b:s2+s4], $0x80, s31, s4, $0xb8;
	[tilespmem:$0x1E000] =	vst v63  }
0x146: {  	_ = 	snop  }
0x147: {  	[tilespmem:s8], [sflag:$0x2] =	stream.indirect.gather [hbm4b:s2+s1], $0x80, s1, s1, $0xb8;
	[tilespmem:$0x1E000] =	vst v63  }
0x148: {  	_ =	swait.ge [sflag:s9], $0x4000  }
0x149: {  	[sflag:s9] =	ssyncset.done $0x0  }
0x14a: {  	[sflag:s9] =	ssyncadd.s32 $0xFFFFC000  }
0x14b: {  	[spmem:s3] =	stream.indirect.scatter.add.f32 [tilespmem:s6], [sflag:$0x3], $0x80, s0, s1, $0xb8;
	[tilespmem:$0x1E000] =	vst v63  }
0x14c: {  	_ =	swait.ge [sflag:s10], $0x4000  }
0x14d: {  	[sflag:s10] =	ssyncset.done $0x0  }
0x14e: {  	s5 =	rddreg [dreg:$0x6];
	[sflag:s10] =	ssyncadd.s32 $0xFFFFC000  }
0x14f: {  	[tilespmem:s6], [sflag:$0x1] =	stream.indirect.gather [hbm4b:s2+s1], $0x80, s5, s1, $0xb8;
	[tilespmem:$0x1E000] =	vst v63  }
0x150: {  	_ =	swait.ge [sflag:s11], $0x4000  }
0x151: {  	[sflag:s11] =	ssyncset.done $0x0  }
0x152: {  	s31 =	rddreg [dreg:$0x7];
	[sflag:s11] =	ssyncadd.s32 $0xFFFFC000  }
0x153: {  	[spmem:s3] =	stream.indirect.scatter.add.f32 [tilespmem:s8], [sflag:$0x4], $0x80, s31, s1, $0xb8;
	[tilespmem:$0x1E000] =	vst v63  }
0x154: {  	_ =	swait.ge [sflag:s12], $0x4000  }
0x155: {  	[sflag:s12] =	ssyncset.done $0x0  }
0x156: {  	s5 =	rddreg [dreg:$0x8];
	[sflag:s12] =	ssyncadd.s32 $0xFFFFC000  }
0x157: {  	[tilespmem:s8], [sflag:$0x2] =	stream.indirect.gather [hbm4b:s2+s1], $0x80, s5, s1, $0xb8;
	[tilespmem:$0x1E000] =	vst v63  }
0x158: {  	_ =	swait.ge [sflag:s9], $0x4000  }
0x159: {  	[sflag:s9] =	ssyncset.done $0x0  }
0x15a: {  	s31 =	rddreg [dreg:$0x9];
	[sflag:s9] =	ssyncadd.s32 $0xFFFFC000  }
0x15b: {  	[spmem:s3] =	stream.indirect.scatter.add.f32 [tilespmem:s6], [sflag:$0x3], $0x80, s31, s1, $0xb8;
	[tilespmem:$0x1E000] =	vst v63  }
0x15c: {  	_ =	swait.ge [sflag:s10], $0x4000  }
0x15d: {  	[sflag:s10] =	ssyncset.done $0x0  }
0x15e: {  	s5 =	rddreg [dreg:$0xa];
	[sflag:s10] =	ssyncadd.s32 $0xFFFFC000  }
0x15f: {  	[tilespmem:s6], [sflag:$0x1] =	stream.indirect.gather [hbm4b:s2+s1], $0x80, s5, s1, $0xb8;
	[tilespmem:$0x1E000] =	vst v63  }
0x160: {  	_ =	swait.ge [sflag:s11], $0x4000  }
0x161: {  	[sflag:s11] =	ssyncset.done $0x0  }
0x162: {  	s31 =	rddreg [dreg:$0xb];
	[sflag:s11] =	ssyncadd.s32 $0xFFFFC000  }
0x163: {  	[spmem:s3] =	stream.indirect.scatter.add.f32 [tilespmem:s8], [sflag:$0x4], $0x80, s31, s1, $0xb8;
	[tilespmem:$0x1E000] =	vst v63  }
0x164: {  	_ =	swait.ge [sflag:s12], $0x4000  }
0x165: {  	[sflag:s12] =	ssyncset.done $0x0  }
0x166: {  	s5 =	rddreg [dreg:$0xc];
	[sflag:s12] =	ssyncadd.s32 $0xFFFFC000  }
0x167: {  	[tilespmem:s8], [sflag:$0x2] =	stream.indirect.gather [hbm4b:s2+s1], $0x80, s5, s1, $0xb8;
	[tilespmem:$0x1E000] =	vst v63  }
0x168: {  	_ =	swait.ge [sflag:s9], $0x4000  }
0x169: {  	[sflag:s9] =	ssyncset.done $0x0  }
0x16a: {  	s31 =	rddreg [dreg:$0xd];
	[sflag:s9] =	ssyncadd.s32 $0xFFFFC000  }
0x16b: {  	[spmem:s3] =	stream.indirect.scatter.add.f32 [tilespmem:s6], [sflag:$0x3], $0x80, s31, s1, $0xb8;
	[tilespmem:$0x1E000] =	vst v63  }
0x16c: {  	_ =	swait.ge [sflag:s10], $0x4000  }
0x16d: {  	[sflag:s10] =	ssyncset.done $0x0  }
0x16e: {  	s5 =	rddreg [dreg:$0xe];
	[sflag:s10] =	ssyncadd.s32 $0xFFFFC000  }
0x16f: {  	[tilespmem:s6], [sflag:$0x1] =	stream.indirect.gather [hbm4b:s2+s1], $0x80, s5, s1, $0xb8;
	[tilespmem:$0x1E000] =	vst v63  }
0x170: {  	_ =	swait.ge [sflag:s11], $0x4000  }
0x171: {  	[sflag:s11] =	ssyncset.done $0x0  }
0x172: {  	s31 =	rddreg [dreg:$0xf];
	[sflag:s11] =	ssyncadd.s32 $0xFFFFC000  }
0x173: {  	[spmem:s3] =	stream.indirect.scatter.add.f32 [tilespmem:s8], [sflag:$0x4], $0x80, s31, s1, $0xb8;
	[tilespmem:$0x1E000] =	vst v63  }
0x174: {  	_ =	swait.ge [sflag:s12], $0x4000  }
0x175: {  	[sflag:s12] =	ssyncset.done $0x0  }
0x176: {  	s5 =	rddreg [dreg:$0x10];
	[sflag:s12] =	ssyncadd.s32 $0xFFFFC000  }
0x177: {  	[tilespmem:s8], [sflag:$0x2] =	stream.indirect.gather [hbm4b:s2+s1], $0x80, s5, s1, $0xb8;
	[tilespmem:$0x1E000] =	vst v63  }
0x178: {  	_ =	swait.ge [sflag:s9], $0x4000  }
0x179: {  	[sflag:s9] =	ssyncset.done $0x0  }
0x17a: {  	s31 =	rddreg [dreg:$0x11];
	[sflag:s9] =	ssyncadd.s32 $0xFFFFC000  }
0x17b: {  	[spmem:s3] =	stream.indirect.scatter.add.f32 [tilespmem:s6], [sflag:$0x3], $0x80, s31, s1, $0xb8;
	[tilespmem:$0x1E000] =	vst v63  }
0x17c: {  	_ =	swait.ge [sflag:s10], $0x4000  }
0x17d: {  	[sflag:s10] =	ssyncset.done $0x0  }
0x17e: {  	s5 =	rddreg [dreg:$0x12];
	[sflag:s10] =	ssyncadd.s32 $0xFFFFC000  }
0x17f: {  	[tilespmem:s6], [sflag:$0x1] =	stream.indirect.gather [hbm4b:s2+s1], $0x80, s5, s1, $0xb8;
	[tilespmem:$0x1E000] =	vst v63  }
0x180: {  	_ =	swait.ge [sflag:s11], $0x4000  }
0x181: {  	[sflag:s11] =	ssyncset.done $0x0  }
0x182: {  	s31 =	rddreg [dreg:$0x13];
	[sflag:s11] =	ssyncadd.s32 $0xFFFFC000  }
0x183: {  	[spmem:s3] =	stream.indirect.scatter.add.f32 [tilespmem:s8], [sflag:$0x4], $0x80, s31, s1, $0xb8;
	[tilespmem:$0x1E000] =	vst v63  }
0x184: {  	_ =	swait.ge [sflag:s12], $0x4000  }
0x185: {  	[sflag:s12] =	ssyncset.done $0x0  }
0x186: {  	s5 =	rddreg [dreg:$0x14];
	[sflag:s12] =	ssyncadd.s32 $0xFFFFC000  }
0x187: {  	[tilespmem:s8], [sflag:$0x2] =	stream.indirect.gather [hbm4b:s2+s1], $0x80, s5, s1, $0xb8;
	[tilespmem:$0x1E000] =	vst v63  }
0x188: {  	_ =	swait.ge [sflag:s9], $0x4000  }
0x189: {  	[sflag:s9] =	ssyncset.done $0x0  }
0x18a: {  	s31 =	rddreg [dreg:$0x15];
	[sflag:s9] =	ssyncadd.s32 $0xFFFFC000  }
0x18b: {  	[spmem:s3] =	stream.indirect.scatter.add.f32 [tilespmem:s6], [sflag:$0x3], $0x80, s31, s1, $0xb8;
	[tilespmem:$0x1E000] =	vst v63  }
0x18c: {  	_ =	swait.ge [sflag:s10], $0x4000  }
0x18d: {  	[sflag:s10] =	ssyncset.done $0x0  }
0x18e: {  	[sflag:s10] =	ssyncadd.s32 $0xFFFFC000  }
0x18f: {  	[tilespmem:s6], [sflag:$0x1] =	stream.indirect.gather [hbm4b:s2+s1], $0x80, s13, s1, $0xb8;
	[tilespmem:$0x1E000] =	vst v63  }
0x190: {  	_ =	swait.ge [sflag:s11], $0x4000  }
0x191: {  	[sflag:s11] =	ssyncset.done $0x0  }
0x192: {  	[sflag:s11] =	ssyncadd.s32 $0xFFFFC000  }
0x193: {  	[spmem:s3] =	stream.indirect.scatter.add.f32 [tilespmem:s8], [sflag:$0x4], $0x80, s14, s1, $0xb8;
	[tilespmem:$0x1E000] =	vst v63  }
0x194: {  	_ =	swait.ge [sflag:s12], $0x4000  }
0x195: {  	[sflag:s12] =	ssyncset.done $0x0  }
0x196: {  	[sflag:s12] =	ssyncadd.s32 $0xFFFFC000  }
0x197: {  	[tilespmem:s8], [sflag:$0x2] =	stream.indirect.gather [hbm4b:s2+s1], $0x80, s15, s1, $0xb8;
	[tilespmem:$0x1E000] =	vst v63  }
0x198: {  	_ =	swait.ge [sflag:s9], $0x4000  }
0x199: {  	[sflag:s9] =	ssyncset.done $0x0  }
0x19a: {  	[sflag:s9] =	ssyncadd.s32 $0xFFFFC000  }
0x19b: {  	[spmem:s3] =	stream.indirect.scatter.add.f32 [tilespmem:s6], [sflag:$0x3], $0x80, s16, s1, $0xb8;
	[tilespmem:$0x1E000] =	vst v63  }
0x19c: {  	_ =	swait.ge [sflag:s10], $0x4000  }
0x19d: {  	[sflag:s10] =	ssyncset.done $0x0  }
0x19e: {  	[sflag:s10] =	ssyncadd.s32 $0xFFFFC000  }
0x19f: {  	[tilespmem:s6], [sflag:$0x1] =	stream.indirect.gather [hbm4b:s2+s1], $0x80, s17, s1, $0xb8;
	[tilespmem:$0x1E000] =	vst v63  }
0x1a0: {  	_ =	swait.ge [sflag:s11], $0x4000  }
0x1a1: {  	[sflag:s11] =	ssyncset.done $0x0  }
0x1a2: {  	[sflag:s11] =	ssyncadd.s32 $0xFFFFC000  }
0x1a3: {  	[spmem:s3] =	stream.indirect.scatter.add.f32 [tilespmem:s8], [sflag:$0x4], $0x80, s18, s1, $0xb8;
	[tilespmem:$0x1E000] =	vst v63  }
0x1a4: {  	_ =	swait.ge [sflag:s12], $0x4000  }
0x1a5: {  	[sflag:s12] =	ssyncset.done $0x0  }
0x1a6: {  	[sflag:s12] =	ssyncadd.s32 $0xFFFFC000  }
0x1a7: {  	[tilespmem:s8], [sflag:$0x2] =	stream.indirect.gather [hbm4b:s2+s1], $0x80, s19, s1, $0xb8;
	[tilespmem:$0x1E000] =	vst v63  }
0x1a8: {  	_ =	swait.ge [sflag:s9], $0x4000  }
0x1a9: {  	[sflag:s9] =	ssyncset.done $0x0  }
0x1aa: {  	[sflag:s9] =	ssyncadd.s32 $0xFFFFC000  }
0x1ab: {  	[spmem:s3] =	stream.indirect.scatter.add.f32 [tilespmem:s6], [sflag:$0x3], $0x80, s20, s1, $0xb8;
	[tilespmem:$0x1E000] =	vst v63  }
0x1ac: {  	_ =	swait.ge [sflag:s10], $0x4000  }
0x1ad: {  	[sflag:s10] =	ssyncset.done $0x0  }
0x1ae: {  	[sflag:s10] =	ssyncadd.s32 $0xFFFFC000  }
0x1af: {  	[tilespmem:s6], [sflag:$0x1] =	stream.indirect.gather [hbm4b:s2+s1], $0x80, s21, s1, $0xb8;
	[tilespmem:$0x1E000] =	vst v63  }
0x1b0: {  	_ =	swait.ge [sflag:s11], $0x4000  }
0x1b1: {  	[sflag:s11] =	ssyncset.done $0x0  }
0x1b2: {  	[sflag:s11] =	ssyncadd.s32 $0xFFFFC000  }
0x1b3: {  	[spmem:s3] =	stream.indirect.scatter.add.f32 [tilespmem:s8], [sflag:$0x4], $0x80, s22, s1, $0xb8;
	[tilespmem:$0x1E000] =	vst v63  }
0x1b4: {  	_ =	swait.ge [sflag:s12], $0x4000  }
0x1b5: {  	[sflag:s12] =	ssyncset.done $0x0  }
0x1b6: {  	[sflag:s12] =	ssyncadd.s32 $0xFFFFC000  }
0x1b7: {  	[tilespmem:s8], [sflag:$0x2] =	stream.indirect.gather [hbm4b:s2+s1], $0x80, s23, s1, $0xb8;
	[tilespmem:$0x1E000] =	vst v63  }
0x1b8: {  	_ =	swait.ge [sflag:s9], $0x4000  }
0x1b9: {  	[sflag:s9] =	ssyncset.done $0x0  }
0x1ba: {  	[sflag:s9] =	ssyncadd.s32 $0xFFFFC000  }
0x1bb: {  	[spmem:s3] =	stream.indirect.scatter.add.f32 [tilespmem:s6], [sflag:$0x3], $0x80, s24, s1, $0xb8;
	[tilespmem:$0x1E000] =	vst v63  }
0x1bc: {  	_ =	swait.ge [sflag:s10], $0x4000  }
0x1bd: {  	[sflag:s10] =	ssyncset.done $0x0  }
0x1be: {  	s28 =	sadd.s32 $0x100, s28;
	[sflag:s10] =	ssyncadd.s32 $0xFFFFC000  }
0x1bf: {  	p0 =	sne.s32 s28, $0x500;
	_ =	swait.ge [sflag:s11], $0x4000  }
.Ltmp1:
0x1c0: {  	[sflag:s11] =	ssyncset.done $0x0;
	(pc) =	sbr.rel @p0 .LBB2_4-.Ltmp1, $4  }
0x1c1: {  	[sflag:s11] =	ssyncadd.s32 $0xFFFFC000  }
0x1c2: {  	[spmem:s3] =	stream.indirect.scatter.add.f32 [tilespmem:s8], [sflag:$0x4], $0x80, s25, s1, $0xb8;
	[tilespmem:$0x1E000] =	vst v63  }
0x1c3: {  	_ =	swait.ge [sflag:s12], $0x4000  }
0x1c4: {  	s29 =	rddreg [dreg:$0x5];
	[sflag:s12] =	ssyncset.done $0x0  }
0x1c5: {  	[sflag:s12] =	ssyncadd.s32 $0xFFFFC000;
	p0 =	seq.s32 s26, $0x0  }
0x1c6: {  	s4 =	sadd.s32 @!p0 s26, s29;
	s5 =	simm.s32 @!p0 $0x0;
	s28 =	simm.s32 @!p0 $0x6  }
0x1c7: {  	[tilespmem:s5], [sflag:$0x6] =	stream.linear.gather @!p0 [hbm4b:s4+s5], $0x800, $0x38;
	[tilespmem:$0x1E000] =	vst v63  }
0x1c8: {  	_ =	swait.ge @!p0 [sflag:s28], $0x800  }
0x1c9: {  	s4 =	rddreg [dreg:$0x4];
	[sflag:s28] =	ssyncset.done @!p0 $0x0  }
0x1ca: {  	[sflag:s28] =	ssyncadd.s32 @!p0 $0xFFFFF800;
	s4 =	sadd.s32 @!p0 s26, s4;
	s26 =	simm.s32 @!p0 $0x800  }
0x1cb: {  	[tilespmem:s26], [sflag:$0x6] =	stream.linear.gather @!p0 [hbm4b:s4+s5], $0x800, $0x38;
	[tilespmem:$0x1E000] =	vst v63  }
0x1cc: {  	_ =	swait.ge @!p0 [sflag:s28], $0x800  }
0x1cd: {  	[sflag:s28] =	ssyncset.done @!p0 $0x0  }
0x1ce: {  	s4 =	simm.s32 @!p0 $0x80;
	s26 =	simm.s32 @!p0 $0x1000;
	[sflag:s28] =	ssyncadd.s32 @!p0 $0xFFFFF800  }
0x1cf: {  	[tilespmem:s26], [sflag:$0x1] =	stream.indirect.gather @!p0 [hbm4b:s2+s4], $0x80, s5, s4, $0xb8;
	[tilespmem:$0x1E000] =	vst v63  }
0x1d0: {  	_ = 	snop  }
0x1d1: {  	[tilespmem:s8], [sflag:$0x2] =	stream.indirect.gather [hbm4b:s2+s1], $0x80, s1, s1, $0xb8;
	[tilespmem:$0x1E000] =	vst v63  }
0x1d2: {  	_ =	swait.ge [sflag:s9], $0x4000  }
0x1d3: {  	[sflag:s9] =	ssyncset.done $0x0  }
0x1d4: {  	[sflag:s9] =	ssyncadd.s32 $0xFFFFC000  }
0x1d5: {  	[spmem:s3] =	stream.indirect.scatter.add.f32 [tilespmem:s6], [sflag:$0x3], $0x80, s0, s1, $0xb8;
	[tilespmem:$0x1E000] =	vst v63  }
0x1d6: {  	_ =	swait.ge [sflag:s10], $0x4000  }
0x1d7: {  	[sflag:s10] =	ssyncset.done $0x0  }
0x1d8: {  	s26 =	rddreg [dreg:$0x6];
	[sflag:s10] =	ssyncadd.s32 $0xFFFFC000  }
0x1d9: {  	[tilespmem:s6], [sflag:$0x1] =	stream.indirect.gather [hbm4b:s2+s1], $0x80, s26, s1, $0xb8;
	[tilespmem:$0x1E000] =	vst v63  }
0x1da: {  	_ =	swait.ge [sflag:s11], $0x4000  }
0x1db: {  	[sflag:s11] =	ssyncset.done $0x0  }
0x1dc: {  	s28 =	rddreg [dreg:$0x7];
	[sflag:s11] =	ssyncadd.s32 $0xFFFFC000  }
0x1dd: {  	[spmem:s3] =	stream.indirect.scatter.add.f32 [tilespmem:s8], [sflag:$0x4], $0x80, s28, s1, $0xb8;
	[tilespmem:$0x1E000] =	vst v63  }
0x1de: {  	_ =	swait.ge [sflag:s12], $0x4000  }
0x1df: {  	[sflag:s12] =	ssyncset.done $0x0  }
0x1e0: {  	s31 =	rddreg [dreg:$0x8];
	[sflag:s12] =	ssyncadd.s32 $0xFFFFC000  }
0x1e1: {  	[tilespmem:s8], [sflag:$0x2] =	stream.indirect.gather [hbm4b:s2+s1], $0x80, s31, s1, $0xb8;
	[tilespmem:$0x1E000] =	vst v63  }
0x1e2: {  	_ =	swait.ge [sflag:s9], $0x4000  }
0x1e3: {  	[sflag:s9] =	ssyncset.done $0x0  }
0x1e4: {  	s5 =	rddreg [dreg:$0x9];
	[sflag:s9] =	ssyncadd.s32 $0xFFFFC000  }
0x1e5: {  	[spmem:s3] =	stream.indirect.scatter.add.f32 [tilespmem:s6], [sflag:$0x3], $0x80, s5, s1, $0xb8;
	[tilespmem:$0x1E000] =	vst v63  }
0x1e6: {  	_ =	swait.ge [sflag:s10], $0x4000  }
0x1e7: {  	[sflag:s10] =	ssyncset.done $0x0  }
0x1e8: {  	s26 =	rddreg [dreg:$0xa];
	[sflag:s10] =	ssyncadd.s32 $0xFFFFC000  }
0x1e9: {  	[tilespmem:s6], [sflag:$0x1] =	stream.indirect.gather [hbm4b:s2+s1], $0x80, s26, s1, $0xb8;
	[tilespmem:$0x1E000] =	vst v63  }
0x1ea: {  	_ =	swait.ge [sflag:s11], $0x4000  }
0x1eb: {  	[sflag:s11] =	ssyncset.done $0x0  }
0x1ec: {  	s28 =	rddreg [dreg:$0xb];
	[sflag:s11] =	ssyncadd.s32 $0xFFFFC000  }
0x1ed: {  	[spmem:s3] =	stream.indirect.scatter.add.f32 [tilespmem:s8], [sflag:$0x4], $0x80, s28, s1, $0xb8;
	[tilespmem:$0x1E000] =	vst v63  }
0x1ee: {  	_ =	swait.ge [sflag:s12], $0x4000  }
0x1ef: {  	[sflag:s12] =	ssyncset.done $0x0  }
0x1f0: {  	s31 =	rddreg [dreg:$0xc];
	[sflag:s12] =	ssyncadd.s32 $0xFFFFC000  }
0x1f1: {  	[tilespmem:s8], [sflag:$0x2] =	stream.indirect.gather [hbm4b:s2+s1], $0x80, s31, s1, $0xb8;
	[tilespmem:$0x1E000] =	vst v63  }
0x1f2: {  	_ =	swait.ge [sflag:s9], $0x4000  }
0x1f3: {  	[sflag:s9] =	ssyncset.done $0x0  }
0x1f4: {  	s5 =	rddreg [dreg:$0xd];
	[sflag:s9] =	ssyncadd.s32 $0xFFFFC000  }
0x1f5: {  	[spmem:s3] =	stream.indirect.scatter.add.f32 [tilespmem:s6], [sflag:$0x3], $0x80, s5, s1, $0xb8;
	[tilespmem:$0x1E000] =	vst v63  }
0x1f6: {  	_ =	swait.ge [sflag:s10], $0x4000  }
0x1f7: {  	[sflag:s10] =	ssyncset.done $0x0  }
0x1f8: {  	s26 =	rddreg [dreg:$0xe];
	[sflag:s10] =	ssyncadd.s32 $0xFFFFC000  }
0x1f9: {  	[tilespmem:s6], [sflag:$0x1] =	stream.indirect.gather [hbm4b:s2+s1], $0x80, s26, s1, $0xb8;
	[tilespmem:$0x1E000] =	vst v63  }
0x1fa: {  	_ =	swait.ge [sflag:s11], $0x4000  }
0x1fb: {  	[sflag:s11] =	ssyncset.done $0x0  }
0x1fc: {  	s28 =	rddreg [dreg:$0xf];
	[sflag:s11] =	ssyncadd.s32 $0xFFFFC000  }
0x1fd: {  	[spmem:s3] =	stream.indirect.scatter.add.f32 [tilespmem:s8], [sflag:$0x4], $0x80, s28, s1, $0xb8;
	[tilespmem:$0x1E000] =	vst v63  }
0x1fe: {  	_ =	swait.ge [sflag:s12], $0x4000  }
0x1ff: {  	[sflag:s12] =	ssyncset.done $0x0  }
0x200: {  	s31 =	rddreg [dreg:$0x10];
	[sflag:s12] =	ssyncadd.s32 $0xFFFFC000  }
0x201: {  	[tilespmem:s8], [sflag:$0x2] =	stream.indirect.gather [hbm4b:s2+s1], $0x80, s31, s1, $0xb8;
	[tilespmem:$0x1E000] =	vst v63  }
0x202: {  	_ =	swait.ge [sflag:s9], $0x4000  }
0x203: {  	[sflag:s9] =	ssyncset.done $0x0  }
0x204: {  	s5 =	rddreg [dreg:$0x11];
	[sflag:s9] =	ssyncadd.s32 $0xFFFFC000  }
0x205: {  	[spmem:s3] =	stream.indirect.scatter.add.f32 [tilespmem:s6], [sflag:$0x3], $0x80, s5, s1, $0xb8;
	[tilespmem:$0x1E000] =	vst v63  }
0x206: {  	_ =	swait.ge [sflag:s10], $0x4000  }
0x207: {  	[sflag:s10] =	ssyncset.done $0x0  }
0x208: {  	s26 =	rddreg [dreg:$0x12];
	[sflag:s10] =	ssyncadd.s32 $0xFFFFC000  }
0x209: {  	[tilespmem:s6], [sflag:$0x1] =	stream.indirect.gather [hbm4b:s2+s1], $0x80, s26, s1, $0xb8;
	[tilespmem:$0x1E000] =	vst v63  }
0x20a: {  	_ =	swait.ge [sflag:s11], $0x4000  }
0x20b: {  	[sflag:s11] =	ssyncset.done $0x0  }
0x20c: {  	s28 =	rddreg [dreg:$0x13];
	[sflag:s11] =	ssyncadd.s32 $0xFFFFC000  }
0x20d: {  	[spmem:s3] =	stream.indirect.scatter.add.f32 [tilespmem:s8], [sflag:$0x4], $0x80, s28, s1, $0xb8;
	[tilespmem:$0x1E000] =	vst v63  }
0x20e: {  	_ =	swait.ge [sflag:s12], $0x4000  }
0x20f: {  	[sflag:s12] =	ssyncset.done $0x0  }
0x210: {  	s31 =	rddreg [dreg:$0x14];
	[sflag:s12] =	ssyncadd.s32 $0xFFFFC000  }
0x211: {  	[tilespmem:s8], [sflag:$0x2] =	stream.indirect.gather [hbm4b:s2+s1], $0x80, s31, s1, $0xb8;
	[tilespmem:$0x1E000] =	vst v63  }
0x212: {  	_ =	swait.ge [sflag:s9], $0x4000  }
0x213: {  	[sflag:s9] =	ssyncset.done $0x0  }
0x214: {  	s5 =	rddreg [dreg:$0x15];
	[sflag:s9] =	ssyncadd.s32 $0xFFFFC000  }
0x215: {  	[spmem:s3] =	stream.indirect.scatter.add.f32 [tilespmem:s6], [sflag:$0x3], $0x80, s5, s1, $0xb8;
	[tilespmem:$0x1E000] =	vst v63  }
0x216: {  	_ =	swait.ge [sflag:s10], $0x4000  }
0x217: {  	[sflag:s10] =	ssyncset.done $0x0  }
0x218: {  	[sflag:s10] =	ssyncadd.s32 $0xFFFFC000  }
0x219: {  	[tilespmem:s6], [sflag:$0x1] =	stream.indirect.gather [hbm4b:s2+s1], $0x80, s13, s1, $0xb8;
	[tilespmem:$0x1E000] =	vst v63  }
0x21a: {  	_ =	swait.ge [sflag:s11], $0x4000  }
0x21b: {  	[sflag:s11] =	ssyncset.done $0x0  }
0x21c: {  	[sflag:s11] =	ssyncadd.s32 $0xFFFFC000  }
0x21d: {  	[spmem:s3] =	stream.indirect.scatter.add.f32 [tilespmem:s8], [sflag:$0x4], $0x80, s14, s1, $0xb8;
	[tilespmem:$0x1E000] =	vst v63  }
0x21e: {  	_ =	swait.ge [sflag:s12], $0x4000  }
0x21f: {  	[sflag:s12] =	ssyncset.done $0x0  }
0x220: {  	[sflag:s12] =	ssyncadd.s32 $0xFFFFC000  }
0x221: {  	[tilespmem:s8], [sflag:$0x2] =	stream.indirect.gather [hbm4b:s2+s1], $0x80, s15, s1, $0xb8;
	[tilespmem:$0x1E000] =	vst v63  }
0x222: {  	_ =	swait.ge [sflag:s9], $0x4000  }
0x223: {  	[sflag:s9] =	ssyncset.done $0x0  }
0x224: {  	[sflag:s9] =	ssyncadd.s32 $0xFFFFC000  }
0x225: {  	[spmem:s3] =	stream.indirect.scatter.add.f32 [tilespmem:s6], [sflag:$0x3], $0x80, s16, s1, $0xb8;
	[tilespmem:$0x1E000] =	vst v63  }
0x226: {  	_ =	swait.ge [sflag:s10], $0x4000  }
0x227: {  	[sflag:s10] =	ssyncset.done $0x0  }
0x228: {  	[sflag:s10] =	ssyncadd.s32 $0xFFFFC000  }
0x229: {  	[tilespmem:s6], [sflag:$0x1] =	stream.indirect.gather [hbm4b:s2+s1], $0x80, s17, s1, $0xb8;
	[tilespmem:$0x1E000] =	vst v63  }
0x22a: {  	_ =	swait.ge [sflag:s11], $0x4000  }
0x22b: {  	[sflag:s11] =	ssyncset.done $0x0  }
0x22c: {  	[sflag:s11] =	ssyncadd.s32 $0xFFFFC000  }
0x22d: {  	[spmem:s3] =	stream.indirect.scatter.add.f32 [tilespmem:s8], [sflag:$0x4], $0x80, s18, s1, $0xb8;
	[tilespmem:$0x1E000] =	vst v63  }
0x22e: {  	_ =	swait.ge [sflag:s12], $0x4000  }
0x22f: {  	[sflag:s12] =	ssyncset.done $0x0  }
0x230: {  	[sflag:s12] =	ssyncadd.s32 $0xFFFFC000  }
0x231: {  	[tilespmem:s8], [sflag:$0x2] =	stream.indirect.gather [hbm4b:s2+s1], $0x80, s19, s1, $0xb8;
	[tilespmem:$0x1E000] =	vst v63  }
0x232: {  	_ =	swait.ge [sflag:s9], $0x4000  }
0x233: {  	[sflag:s9] =	ssyncset.done $0x0  }
0x234: {  	[sflag:s9] =	ssyncadd.s32 $0xFFFFC000  }
0x235: {  	[spmem:s3] =	stream.indirect.scatter.add.f32 [tilespmem:s6], [sflag:$0x3], $0x80, s20, s1, $0xb8;
	[tilespmem:$0x1E000] =	vst v63  }
0x236: {  	_ =	swait.ge [sflag:s10], $0x4000  }
0x237: {  	[sflag:s10] =	ssyncset.done $0x0  }
0x238: {  	[sflag:s10] =	ssyncadd.s32 $0xFFFFC000  }
0x239: {  	[tilespmem:s6], [sflag:$0x1] =	stream.indirect.gather [hbm4b:s2+s1], $0x80, s21, s1, $0xb8;
	[tilespmem:$0x1E000] =	vst v63  }
0x23a: {  	_ =	swait.ge [sflag:s11], $0x4000  }
0x23b: {  	[sflag:s11] =	ssyncset.done $0x0  }
0x23c: {  	[sflag:s11] =	ssyncadd.s32 $0xFFFFC000  }
0x23d: {  	[spmem:s3] =	stream.indirect.scatter.add.f32 [tilespmem:s8], [sflag:$0x4], $0x80, s22, s1, $0xb8;
	[tilespmem:$0x1E000] =	vst v63  }
0x23e: {  	_ =	swait.ge [sflag:s12], $0x4000  }
0x23f: {  	[sflag:s12] =	ssyncset.done $0x0  }
0x240: {  	[sflag:s12] =	ssyncadd.s32 $0xFFFFC000  }
0x241: {  	[tilespmem:s8], [sflag:$0x2] =	stream.indirect.gather [hbm4b:s2+s1], $0x80, s23, s1, $0xb8;
	[tilespmem:$0x1E000] =	vst v63  }
0x242: {  	_ =	swait.ge [sflag:s9], $0x4000  }
0x243: {  	[sflag:s9] =	ssyncset.done $0x0  }
0x244: {  	[sflag:s9] =	ssyncadd.s32 $0xFFFFC000  }
0x245: {  	[spmem:s3] =	stream.indirect.scatter.add.f32 [tilespmem:s6], [sflag:$0x3], $0x80, s24, s1, $0xb8;
	[tilespmem:$0x1E000] =	vst v63  }
0x246: {  	_ =	swait.ge [sflag:s10], $0x4000  }
0x247: {  	[sflag:s10] =	ssyncset.done $0x0  }
0x248: {  	[sflag:s10] =	ssyncadd.s32 $0xFFFFC000  }
0x249: {  	_ =	swait.ge [sflag:s11], $0x4000  }
0x24a: {  	[sflag:s11] =	ssyncset.done $0x0  }
0x24b: {  	[sflag:s11] =	ssyncadd.s32 $0xFFFFC000  }
0x24c: {  	[spmem:s3] =	stream.indirect.scatter.add.f32 [tilespmem:s8], [sflag:$0x4], $0x80, s25, s1, $0xb8;
	[tilespmem:$0x1E000] =	vst v63  }
0x24d: {  	_ =	swait.ge [sflag:s12], $0x4000  }
0x24e: {  	[sflag:s12] =	ssyncset.done $0x0  }
0x24f: {  	[sflag:s12] =	ssyncadd.s32 $0xFFFFC000  }
0x250: {  	[bflag:$0x0] =	sbarrier.arrive $0xFFFF  }
0x251: {  	s26 =	stileid.u32;
	s31 =	sld [smem:$0x7F9]  }
0x252: {  	s4 =	sshll.u32 s26, $0x6;
	s29 =	rddreg [dreg:$0x17]  }
0x253: {  	s4 =	sor.u32 $0x1C06, s4;
	s5 =	simm.s32 $0x6;
	s28 =	sshrl.u32 s29, $0x3  }
0x254: {  	[hbm:s31], [sflag:s4] =	dma.local [spmem:s28], $0x2800  }
0x255: {  	_ =	swait.ge [sflag:s5], $0x2800  }
0x256: {  	s31 =	sld [smem:$0x7FA]  }
0x257: {  	s28 =	rddreg [dreg:$0x16]  }
0x258: {  	s26 =	sadd.s32 $0x1, s28  }
0x259: {  	p0 =	sne.s32 s26, s31  }
.Ltmp2:
0x25a: {  	_ = 	snop;
	(pc) =	sbr.rel @p0 .LBB2_1-.Ltmp2, $3  }
0x25b: {  	_ =	sdelay $0x1  }
0x25c: {  	[sflag:s5] =	ssyncset.done $0x0  }
0x25d: {  	[sflag:s5] =	ssyncadd.s32 $0xFFFFD800  }
0x25e: {  	_ =	sfence.sel $0x180000  }
0x25f: {  	[bflag:$0x0] =	sbarrier.arrive $0xFFFF  }
0x260: {  	_ =	strace $0x9000004A  }
0x261: {  	s0 =	stileid.u32;
	[bflag:$0x2] =	sbarrier.arrive $0xFFFF  }
0x262: {  	p0 =	sne.s32 s0, $0x0;
	s0 =	rddreg [dreg:$0x3]  }
0x263: {  	s0 =	sadd.s32 @!p0 $0x100000, s0  }
0x264: {  	[sflag:s0] =	ssyncadd.tile.s32 @!p0 $0x1;
	_ =	shalt  }
.Lfunc_end2:
_tile_overlayer_lowered:
.L_overlay_start_2:
0x265: {  	(tag) =	ssettag $0x2  }
0x266: {  	s0 =	rddreg [dreg:$0x0];
	s2 =	stileid.u32  }
0x267: {  	s1 =	rddreg [dreg:$0x1];
	p0 =	sne.s32 s2, $0x0  }
0x268: {  	s3 =	rddreg [dreg:$0x2];
	[bflag:$0x3] =	sbarrier.arrive $0xFFFF;
	s2 =	simm.s32 @!p0 $0x1C06  }
0x269: {  	[timem:s3], [sflag:s2] =	dma.local @!p0 [hbm:s0], s1  }
0x26a: {  	s0 =	simm.s32 @!p0 $0x6  }
0x26b: {  	_ =	swait.ge @!p0 [sflag:s0], s1  }
0x26c: {  	s1 =	ssub.s32 @!p0 $0x0, s1;
	[sflag:s0] =	ssyncset.done @!p0 $0x0  }
0x26d: {  	[sflag:s0] =	ssyncadd.s32 @!p0 s1  }
0x26e: {  	[bflag:$0x3] =	sbarrier.arrive $0xFFFF  }
0x26f: {  	_ =	shalt  }

// kernel: kernel.7.cloned.1.call-start
scs
__scs_entry_jumppad:
0x0: {  	(pc) =	sbr.rel $0x88, $3  }
0x1: {  	(tag) =	ssettag $0x0;
	lr =	simm.s32 $0x1  }
0x2: {  	[smem:$0x3F9B] =	sst lr;
	_ =	strace $0xD0000000  }
0x3: {  	_ = 	snop  }
0x4: {  	_ = 	snop  }
0x5: {  	_ = 	snop  }
0x6: {  	_ = 	snop  }
0x7: {  	_ = 	snop  }
__scs_overlays_trampoline_lowered:
0x8: {  	[smem:$0x3FAA] =	sst s0  }
0x9: {  	[smem:$0x3FAB] =	sst s1  }
0xa: {  	[smem:$0x3FAC] =	sst s2  }
0xb: {  	[smem:$0x3FAD] =	sst s3  }
0xc: {  	[smem:$0x3FAE] =	sst s4  }
0xd: {  	[smem:$0x3FAF] =	sst s5  }
0xe: {  	[smem:$0x3FB0] =	sst s6  }
0xf: {  	[smem:$0x3FB1] =	sst s7  }
0x10: {  	[smem:$0x3FB2] =	sst s8  }
0x11: {  	[smem:$0x3FB3] =	sst s9;
	s0 =	simm.s32 @!p0 $0x0  }
0x12: {  	s1 =	sld [smem:$0x3F99];
	s0 =	simm.s32 @p0 $0x1  }
0x13: {  	[smem:$0x3FB4] =	sst s0;
	s0 =	simm.s32 @!p1 $0x0  }
0x14: {  	s2 =	sld [smem:$0x3F98];
	s0 =	simm.s32 @p1 $0x1  }
0x15: {  	[smem:$0x3FB5] =	sst s0;
	s0 =	simm.s32 @!p2 $0x0  }
0x16: {  	s3 =	sld [smem:$0x3FDB];
	s0 =	simm.s32 @p2 $0x1  }
0x17: {  	s4 =	simm.s32 $0x1BF5;
	[smem:$0x3FB7] =	sst s0  }
0x18: {  	s0 =	sld [smem:$0x3F9A];
	_ =	swait.ge [sflag:s4], $0x0  }
0x19: {  	s7 =	sld [smem:$0x3F9B]  }
0x1a: {  	s8 =	sadd.s32 $0xFFFFE003, lr  }
0x1b: {  	s9 =	sadd.s32 $0xFFFFFEF7, lr;
	s5 =	simm.s32 $0xFFFFFFFF;
	p2 =	slt.u32 s8, $0xFFFFF086  }
0x1c: {  	p1 =	slt.u32 s9, $0xF7A;
	s5 =	simm.s32 @!p2 $0x0  }
0x1d: {  	s5 =	simm.s32 @p1 $0x1;
	p0 =	seq.s32 s7, s2  }
0x1e: {  	s7 =	smul.u32 @!p0 $0xF7A, s2;
	p2 =	seq.s32 @!p0 s5, $0x0  }
0x1f: {  	s9 =	smul.u32 $0xF7A, s1;
	s8 =	simm.s32 @!p0 $0x1BF5;
	p2 =	por !p2, p0  }
0x20: {  	[sflag:s8] =	ssyncset.s32 @!p0 $0xFFFFF086;
	s6 =	sadd.s32 @!p0 s3, s7;
	s7 =	simm.s32 @!p0 $0x108  }
0x21: {  	s3 =	sadd.s32 s3, s9;
	s6 =	sadd.s32 @!p0 $0x88, s6;
	s7 =	simm.s32 @p2 $0x1082  }
0x22: {  	[simem:s7], [sflag:s8] =	dma.local @!p0 [hbm:s6], $0xF7A  }
0x23: {  	s9 =	sor.u32 $0xD0000000, s2;
	s6 =	simm.s32 $0x108;
	_ =	swait.ge @!p0 [sflag:s8], $0x0  }
0x24: {  	s3 =	sadd.s32 $0x88, s3;
	s6 =	simm.s32 @!p1 $0x1082;
	[sflag:s4] =	ssyncset.s32 $0xFFFFF086  }
0x25: {  	[simem:s6], [sflag:s4] =	dma.local [hbm:s3], $0xF7A  }
0x26: {  	[smem:$0x3F9B] =	sst s1;
	(tag) =	ssettag s2;
	_ =	strace s9  }
0x27: {  	s1 =	sld [smem:$0x3FAB]  }
0x28: {  	s2 =	sld [smem:$0x3FAC]  }
0x29: {  	s4 =	sld [smem:$0x3FAE]  }
0x2a: {  	p0 =	seq.s32 s5, $0x0;
	s5 =	sld [smem:$0x3FAF]  }
0x2b: {  	s6 =	sld [smem:$0x3FB0]  }
0x2c: {  	s7 =	sld [smem:$0x3FB1]  }
0x2d: {  	s3 =	simm.s32 $0x108;
	s8 =	sld [smem:$0x3FB2]  }
0x2e: {  	s3 =	simm.s32 @!p0 $0x1082;
	s9 =	sld [smem:$0x3FB3]  }
0x2f: {  	lr =	sadd.s32 s0, s3;
	s0 =	sld [smem:$0x3FAA]  }
0x30: {  	s3 =	sld [smem:$0x3FAD]  }
0x31: {  	[smem:$0x3FB6] =	sst s10  }
0x32: {  	s10 =	sld [smem:$0x3FB4];
	_ =	sdelay $0x3  }
0x33: {  	p0 =	seq.s32 s10, $0x1;
	s10 =	sld [smem:$0x3FB6];
	_ =	sdelay $0x3  }
0x34: {  	[smem:$0x3FB6] =	sst s10  }
0x35: {  	s10 =	sld [smem:$0x3FB5];
	_ =	sdelay $0x3  }
0x36: {  	p1 =	seq.s32 s10, $0x1;
	s10 =	sld [smem:$0x3FB6];
	_ =	sdelay $0x3  }
0x37: {  	[smem:$0x3FB6] =	sst s10  }
0x38: {  	s10 =	sld [smem:$0x3FB7]  }
0x39: {  	_ = 	snop;
	(pc) =	sbr.ind lr, $3  }
0x3a: {  	_ = 	snop  }
0x3b: {  	_ = 	snop  }
0x3c: {  	p2 =	seq.s32 s10, $0x1;
	s10 =	sld [smem:$0x3FB6]  }
0x3d: {  	_ =	shalt  }
0x3e: {  	_ =	shalt  }
0x3f: {  	_ =	shalt  }
0x40: {  	_ =	shalt  }
0x41: {  	_ =	shalt  }
0x42: {  	_ =	shalt  }
0x43: {  	_ =	shalt  }
0x44: {  	_ =	shalt  }
0x45: {  	_ =	shalt  }
0x46: {  	_ =	shalt  }
0x47: {  	_ =	shalt  }
0x48: {  	_ =	shalt  }
0x49: {  	_ =	shalt  }
0x4a: {  	_ =	shalt  }
0x4b: {  	_ =	shalt  }
0x4c: {  	_ =	shalt  }
0x4d: {  	_ =	shalt  }
0x4e: {  	_ =	shalt  }
0x4f: {  	_ =	shalt  }
0x50: {  	_ =	shalt  }
0x51: {  	_ =	shalt  }
0x52: {  	_ =	shalt  }
0x53: {  	_ =	shalt  }
0x54: {  	_ =	shalt  }
0x55: {  	_ =	shalt  }
0x56: {  	_ =	shalt  }
0x57: {  	_ =	shalt  }
0x58: {  	_ =	shalt  }
0x59: {  	_ =	shalt  }
0x5a: {  	_ =	shalt  }
0x5b: {  	_ =	shalt  }
0x5c: {  	_ =	shalt  }
0x5d: {  	_ =	shalt  }
0x5e: {  	_ =	shalt  }
0x5f: {  	_ =	shalt  }
0x60: {  	_ =	shalt  }
0x61: {  	_ =	shalt  }
0x62: {  	_ =	shalt  }
0x63: {  	_ =	shalt  }
0x64: {  	_ =	shalt  }
0x65: {  	_ =	shalt  }
0x66: {  	_ =	shalt  }
0x67: {  	_ =	shalt  }
0x68: {  	_ =	shalt  }
0x69: {  	_ =	shalt  }
0x6a: {  	_ =	shalt  }
0x6b: {  	_ =	shalt  }
0x6c: {  	_ =	shalt  }
0x6d: {  	_ =	shalt  }
0x6e: {  	_ =	shalt  }
0x6f: {  	_ =	shalt  }
0x70: {  	_ =	shalt  }
0x71: {  	_ =	shalt  }
0x72: {  	_ =	shalt  }
0x73: {  	_ =	shalt  }
0x74: {  	_ =	shalt  }
0x75: {  	_ =	shalt  }
0x76: {  	_ =	shalt  }
0x77: {  	_ =	shalt  }
0x78: {  	_ =	shalt  }
0x79: {  	_ =	shalt  }
0x7a: {  	_ =	shalt  }
0x7b: {  	_ =	shalt  }
0x7c: {  	_ =	shalt  }
0x7d: {  	_ =	shalt  }
0x7e: {  	_ =	shalt  }
0x7f: {  	_ =	shalt  }
0x80: {  	_ =	shalt  }
0x81: {  	_ =	shalt  }
0x82: {  	_ =	shalt  }
0x83: {  	_ =	shalt  }
0x84: {  	_ =	shalt  }
0x85: {  	_ =	shalt  }
0x86: {  	_ =	shalt  }
0x87: {  	_ =	shalt  }
.Lfunc_end0:
.L_simem_size_0:
called_computation_lowered:
.L_overlay_start_0:
0x88: {  	s2 =	sld [smem:$0x3FD9]  }
0x89: {  	s3 =	sld [smem:$0x3FFE];
	_ =	sdelay $0x1  }
0x8a: {  	s1 =	srdreg.scid  }
0x8b: {  	s0 =	sand.u32 $0x1, s1  }
0x8c: {  	s17 =	sshll.u32 s0, $0xA;
	s2 =	sadd.s32 s3, s2  }
0x8d: {  	s2 =	sadd.s32 s2, s17  }
0x8e: {  	[smem:$0x3FC2] =	sst s2  }
0x8f: {  	_ = 	snop  }
0x90: {  	s2 =	sld [smem:$0x3FD0];
	(tm) =	ssettm $0x1  }
0x91: {  	s18 =	sld [smem:$0x3FFB];
	_ =	sdelay $0x3  }
0x92: {  	_ =	strace s18  }
0x93: {  	s3 =	sld [smem:$0x3FFC];
	_ =	sdelay $0x3  }
0x94: {  	_ =	strace s3  }
0x95: {  	s3 =	sld [smem:$0x3FFD];
	_ =	sdelay $0x3  }
0x96: {  	_ =	strace s3  }
0x97: {  	_ =	strace $0x8FFFFFFF  }
0x98: {  	s19 =	sld [smem:$0x3FDB];
	_ =	sdelay $0x1  }
0x99: {  	s4 =	simm.s32 $_scs_section_size  }
0x9a: {  	s5 =	simm.s32 $_size__tile_overlayer_lowered;
	s6 =	simm.s32 $_tile_overlayer_lowered  }
0x9b: {  	s22 =	simm.s32 $0x1BFF;
	s21 =	sshll.u32 s6, $0x1;
	s3 =	sadd.s32 s4, s19  }
0x9c: {  	s7 =	simm.s32 $0x0;
	s20 =	sshll.u32 s5, $0x1;
	s5 =	sadd.s32 s21, s3  }
0x9d: {  	[timem:s7], [sflag:s22] =	dma.local [hbm:s5], s20  }
0x9e: {  	_ =	swait.ge [sflag:s22], s20  }
0x9f: {  	s4 =	ssub.s32 $0x0, s20;
	[sflag:s22] =	ssyncset.done $0x0  }
0xa0: {  	[sflag:s22] =	ssyncadd.s32 s4;
	_ =	sdelay $0x1  }
0xa1: {  	s23 =	simm.s32 $0x1B8B  }
0xa2: {  	_ =	swait.ge [sflag:s23], $0x1  }
0xa3: {  	[sflag:s23] =	ssyncset.done $0x0  }
0xa4: {  	s25 =	simm.s32 $0x1B8E;
	s24 =	sld [smem:$0x3FFE];
	[sflag:s23] =	ssyncadd.s32 $0xFFFFFFFF  }
0xa5: {  	s26 =	simm.s32 $execute0_lowered;
	[smem:$0x3FD2] =	sst s25  }
0xa6: {  	s5 =	sshll.u32 s26, $0x1;
	_ =	strace $0x80000046;
	[dreg:$0x1] =	wrdreg $0xFFFFFFFF  }
0xa7: {  	s28 =	simm.s32 $_size_execute0_lowered;
	s3 =	sadd.s32 s3, s5;
	[dreg:$0x0] =	wrdreg $0x0  }
0xa8: {  	s5 =	sshll.u32 s28, $0x1;
	[dreg:$0x2] =	wrdreg s3  }
0xa9: {  	[dreg:$0x3] =	wrdreg s5  }
0xaa: {  	[dreg:$0x4] =	wrdreg $0xC0  }
0xab: {  	_ =	task [dreg:s7], $0x5FFFF  }
0xac: {  	[dreg:$0x1] =	wrdreg $0xFFFFFFFF  }
0xad: {  	[dreg:$0x0] =	wrdreg $0x60  }
0xae: {  	[dreg:$0x2] =	wrdreg s24  }
0xaf: {  	[dreg:$0x3] =	wrdreg s2  }
0xb0: {  	[dreg:$0x4] =	wrdreg $0x2B000  }
0xb1: {  	[dreg:$0x5] =	wrdreg $0x9  }
0xb2: {  	_ =	task.clear_ibuf [dreg:s7], $0x6FFFF;
	_ =	strace $0x90000046  }
0xb3: {  	s29 =	simm.s32 $0x9;
	_ =	strace $0x80000048  }
0xb4: {  	_ =	swait.ge [sflag:s29], $0x1  }
0xb5: {  	[sflag:s29] =	ssyncadd.s32 $0xFFFFFFFF  }
0xb6: {  	_ =	strace $0x90000048  }
0xb7: {  	_ =	sfence  }
0xb8: {  	s30 =	sld [smem:$0x0];
	_ =	sdelay $0x2  }
0xb9: {  	s31 =	sshll.u32 s1, $0xD;
	s1 =	sshrl.u32 s1, $0x2  }
0xba: {  	s3 =	sand.u32 $0x4000, s31;
	s1 =	sadd.s32 s1, s30  }
0xbb: {  	s0 =	sor.u32 s3, s0;
	s1 =	sshll.u32 s1, $0x11  }
0xbc: {  	s0 =	sor.u32 s1, s0  }
0xbd: {  	s0 =	sadd.s32 $0x8F2B, s0  }
0xbe: {  	[sflag:s0] =	ssyncadd.remote.s32 $0x1  }
0xbf: {  	_ =	sfence.sel $0xFFFF  }
0xc0: {  	[dreg:$0x0] =	wrdreg $0xFFFFFFFF;
	(pc) =	sbr.abs _section_cstart, $3  }
0xc1: {  	[dreg:$0x1] =	wrdreg $0xFFFFFFFF  }
0xc2: {  	_ =	task.clear_ibuf [dreg:s7], $0x2FFFF;
	_ =	strace $0x9FFFFFFF  }
0xc3: {  	(tm) =	ssettm $0x7FFFFFFF  }
tec
execute0_lowered:
.L_overlay_start_1:
0x0: {  	(tag) =	ssettag $0x1  }
0x1: {  	s4 =	rddreg [dreg:$0x0]  }
0x2: {  	s0 =	srdreg.scid;
	s6 =	rddreg [dreg:$0x1]  }
0x3: {  	s2 =	rddreg [dreg:$0x2];
	s1 =	stileid.u32  }
0x4: {  	s3 =	simm.s32 $0x0;
	s11 =	simm.s32 $0x2800;
	s12 =	simm.s32 $0x1  }
0x5: {  	s15 =	simm.s32 $0x20;
	s16 =	simm.s32 $0x10;
	s17 =	simm.s32 $0x0  }
0x6: {  	s5 =	sand.u32 $0x1, s0;
	s0 =	rddreg [dreg:$0x3];
	s8 =	smul.u32 $0x500, s1  }
0x7: {  	[smem:$0x7FF] =	sst s3;
	s10 =	smul.u32 $0xA00, s1;
	s13 =	sshll.u32 s1, $0x6  }
0x8: {  	s7 =	sshll.u32 s5, $0x4;
	_ =	strace $0x80000047;
	s9 =	ssub.s32 $0x2, s5  }
0x9: {  	s5 =	sshll.u32 s5, $0x7;
	s13 =	sor.u32 $0x1C02, s13;
	s7 =	sor.u32 s1, s7  }
0xa: {  	s28 =	sshrl.u32 s9, $0x1;
	s5 =	sor.u32 s5, s8;
	s30 =	sshrl.u32 s10, $0x2  }
0xb: {  	s8 =	simm.s32 $0x2880;
	s10 =	simm.s32 $0x80;
	s7 =	smul.u32 $0x500, s7  }
0xc: {  	s29 =	ssub.s32 s9, s28;
	s31 =	sshrl.u32 s5, $0x3;
	s9 =	simm.s32 $0x2  }
0xd: {  	s6 =	sadd.s32 s6, s31;
	s7 =	sadd.s32 s7, s4;
	s4 =	sadd.s32 s30, s2  }
0xe: {  	v0 =	vimm.f32 $0.0e+00;
	v1 =	vimm.f32 $1.000000000e+00;
	s5 =	sadd.s32 $0x2400, s7;
	s7 =	smax.u32 s29, $0x1;
	s14 =	sshrl.u32 s4, $0x3  }
.LBB2_1:
0xf: {  	[tilespmem:$0x2880] =	vst v0  }
0x10: {  	[tilespmem:$0x2890] =	vst v0  }
0x11: {  	[tilespmem:$0x28A0] =	vst v0  }
0x12: {  	[tilespmem:$0x28B0] =	vst v0  }
0x13: {  	[tilespmem:$0x28C0] =	vst v0  }
0x14: {  	[tilespmem:$0x28D0] =	vst v0  }
0x15: {  	[tilespmem:$0x28E0] =	vst v0  }
0x16: {  	[tilespmem:$0x28F0] =	vst v0  }
0x17: {  	[tilespmem:$0x2900] =	vst v0  }
0x18: {  	[tilespmem:$0x2910] =	vst v0  }
0x19: {  	[tilespmem:$0x2920] =	vst v0  }
0x1a: {  	[tilespmem:$0x2930] =	vst v0  }
0x1b: {  	[tilespmem:$0x2940] =	vst v0  }
0x1c: {  	[tilespmem:$0x2950] =	vst v0  }
0x1d: {  	[tilespmem:$0x2960] =	vst v0  }
0x1e: {  	[tilespmem:$0x2970] =	vst v0  }
0x1f: {  	[tilespmem:$0x2980] =	vst v0  }
0x20: {  	[tilespmem:$0x2990] =	vst v0  }
0x21: {  	[tilespmem:$0x29A0] =	vst v0  }
0x22: {  	[tilespmem:$0x29B0] =	vst v0  }
0x23: {  	[tilespmem:$0x29C0] =	vst v0  }
0x24: {  	[tilespmem:$0x29D0] =	vst v0  }
0x25: {  	[tilespmem:$0x29E0] =	vst v0  }
0x26: {  	[tilespmem:$0x29F0] =	vst v0  }
0x27: {  	[tilespmem:$0x2A00] =	vst v0  }
0x28: {  	[tilespmem:$0x2A10] =	vst v0  }
0x29: {  	[tilespmem:$0x2A20] =	vst v0  }
0x2a: {  	[tilespmem:$0x2A30] =	vst v0  }
0x2b: {  	[tilespmem:$0x2A40] =	vst v0  }
0x2c: {  	[tilespmem:$0x2A50] =	vst v0  }
0x2d: {  	[tilespmem:$0x2A60] =	vst v0  }
0x2e: {  	[tilespmem:$0x2A70] =	vst v0  }
0x2f: {  	[tilespmem:$0x2A80] =	vst v0  }
0x30: {  	[tilespmem:$0x2A90] =	vst v0  }
0x31: {  	[tilespmem:$0x2AA0] =	vst v0  }
0x32: {  	[tilespmem:$0x2AB0] =	vst v0  }
0x33: {  	[tilespmem:$0x2AC0] =	vst v0  }
0x34: {  	[tilespmem:$0x2AD0] =	vst v0  }
0x35: {  	[tilespmem:$0x2AE0] =	vst v0  }
0x36: {  	[tilespmem:$0x2AF0] =	vst v0  }
0x37: {  	[tilespmem:$0x2800] =	vst v1  }
0x38: {  	[tilespmem:$0x2810] =	vst v1  }
0x39: {  	[tilespmem:$0x2820] =	vst v1  }
0x3a: {  	[tilespmem:$0x2830] =	vst v1  }
0x3b: {  	[tilespmem:$0x2840] =	vst v1  }
0x3c: {  	[tilespmem:$0x2850] =	vst v1  }
0x3d: {  	[tilespmem:$0x2860] =	vst v1  }
0x3e: {  	[tilespmem:$0x2870] =	vst v1  }
0x3f: {  	[spmem:s4] =	stream.linear.scatter [tilespmem:s8], [sflag:$0x2], $0x280, $0x38;
	[tilespmem:$0x2D80] =	vst v63  }
0x40: {  	_ =	swait.ge [sflag:s9], $0x280  }
0x41: {  	[sflag:s9] =	ssyncset.done $0x0  }
0x42: {  	[sflag:s9] =	ssyncadd.s32 $0xFFFFFD80  }
0x43: {  	[bflag:$0x0] =	sbarrier.arrive $0xFFFF  }
0x44: {  	[tilespmem:s3], [sflag:$0x2] =	stream.linear.gather [hbm4b:s5+s3], $0x2800, $0x38;
	[tilespmem:$0x2D80] =	vst v63  }
0x45: {  	_ =	swait.ge [sflag:s9], $0x2800  }
0x46: {  	[sflag:s9] =	ssyncset.done $0x0  }
0x47: {  	s18 =	simm.s32 $0x0;
	[sflag:s9] =	ssyncadd.s32 $0xFFFFD800  }
.LBB2_2:
0x48: {  	p0 =	sne.s32 s18, $0x9E00  }
.Ltmp0:
0x49: {  	_ = 	snop;
	(pc) =	sbr.rel @p0 .LBB2_2-.Ltmp0, $3  }
0x4a: {  	_ =	sdelay $0x1  }
0x4b: {  	s19 =	sshra.s32 s18, $0x2;
	s18 =	sadd.s32 $0x200, s18  }
0x4c: {  	[spmem:s2] =	stream.indirect.scatter.add.f32 [tilespmem:s11], [sflag:$0x1], $0x1, s19, s10, $0xb8;
	[tilespmem:$0x2D80] =	vst v63  }
0x4d: {  	_ =	swait.ge [sflag:s12], $0x80  }
0x4e: {  	s18 =	simm.s32 $0x4F;
	[sflag:s12] =	ssyncset.done $0x0  }
.LBB2_4:
0x4f: {  	p0 =	sne.s32 s18, $0x1;
	s18 =	sadd.s32 $0xFFFFFFFF, s18;
	[sflag:s12] =	ssyncadd.s32 $0xFFFFFF80  }
.Ltmp1:
0x50: {  	(pc) =	sbr.rel @p0 .LBB2_4-.Ltmp1, $3  }
0x51: {  	_ =	sdelay $0x1  }
0x52: {  	_ =	swait.ge [sflag:s12], $0x80  }
0x53: {  	[sflag:s12] =	ssyncset.done $0x0  }
0x54: {  	s17 =	sadd.s32 $0x1, s17  }
0x55: {  	[sflag:s12] =	ssyncadd.s32 $0xFFFFFF80;
	p0 =	sne.s32 s17, s7  }
.Ltmp2:
0x56: {  	[bflag:$0x0] =	sbarrier.arrive $0xFFFF;
	(pc) =	sbr.rel @p0 .LBB2_1-.Ltmp2, $4  }
0x57: {  	[hbm:s6@s15], [sflag:s13] =	dma.strided [spmem:s14@s16], $0x50, s12, $0x10   }
0x58: {  	_ =	swait.ge [sflag:s9], $0x50  }
0x59: {  	[sflag:s9] =	ssyncset.done $0x0  }
0x5a: {  	[sflag:s9] =	ssyncadd.s32 $0xFFFFFFB0  }
0x5b: {  	_ =	sfence.sel $0x180000  }
0x5c: {  	[bflag:$0x0] =	sbarrier.arrive $0xFFFF  }
0x5d: {  	p0 =	sne.s32 s1, $0x0;
	_ =	strace $0x90000047  }
0x5e: {  	s0 =	sadd.s32 @!p0 $0x100000, s0;
	[bflag:$0x2] =	sbarrier.arrive $0xFFFF  }
0x5f: {  	[sflag:s0] =	ssyncadd.tile.s32 @!p0 $0x1;
	_ =	shalt  }
.Lfunc_end2:
_tile_overlayer_lowered:
.L_overlay_start_2:
0x60: {  	(tag) =	ssettag $0x2  }
0x61: {  	s0 =	rddreg [dreg:$0x0];
	s2 =	stileid.u32  }
0x62: {  	s1 =	rddreg [dreg:$0x1];
	p0 =	sne.s32 s2, $0x0  }
0x63: {  	s3 =	rddreg [dreg:$0x2];
	[bflag:$0x3] =	sbarrier.arrive $0xFFFF;
	s2 =	simm.s32 @!p0 $0x1C02  }
0x64: {  	[timem:s3], [sflag:s2] =	dma.local @!p0 [hbm:s0], s1  }
0x65: {  	s0 =	simm.s32 @!p0 $0x2  }
0x66: {  	_ =	swait.ge @!p0 [sflag:s0], s1  }
0x67: {  	s1 =	ssub.s32 @!p0 $0x0, s1;
	[sflag:s0] =	ssyncset.done @!p0 $0x0  }
0x68: {  	[sflag:s0] =	ssyncadd.s32 @!p0 s1  }
0x69: {  	[bflag:$0x3] =	sbarrier.arrive $0xFFFF  }
0x6a: {  	_ =	shalt  }

</sc_bundles>
